<compile_context>
chip_gen: v7x
topology: tpu7x:2x2x1
jax: 0.10.2.dev20260603
libtpu: 0.0.44.dev20260713+nightly
codegen_flags: <defaults>
</compile_context>

<pallas_src>
import functools

import jax
import jax.numpy as jnp
from jax import lax
from jax.experimental import pallas as pl
from jax.experimental.pallas import tpu as pltpu
from jax.experimental.pallas import tpu_sc as plsc

N = 10000
E = 320000
D = 128

NC = 2
NS = 16
NW = NC * NS
E_PER_W = E // NW
K = 128
CHUNKS = 80
EPW_PAD = K * CHUNKS
E_PAD = NW * EPW_PAD
HB_ROWS = 640
ROWS_PER_SUB = HB_ROWS // NS
ACC_ROWS = 10240
ACC_PER_SUB = ACC_ROWS // NS

_MESH = plsc.VectorSubcoreMesh(core_axis_name="c", subcore_axis_name="s")


HBINS = HB_ROWS * 16
BINS_PER_SUB = HBINS // NS


def _hist_body(dst_hbm, out_hbm, dstbuf, hist, tmp, accbuf, hist_all):
    c = lax.axis_index("c")
    s = lax.axis_index("s")
    w = c * NS + s

    zeros16 = jnp.zeros((16,), jnp.float32)

    def _zero(i, _):
        hist[pl.ds(i * 16, 16)] = zeros16
        return 0

    lax.fori_loop(0, HBINS // 16, _zero, 0)

    pltpu.sync_copy(dst_hbm.at[pl.ds(w * E_PER_W, E_PER_W)], dstbuf)

    ones16 = jnp.ones((16,), jnp.float32)

    def _acc(j, _):
        idx = dstbuf[pl.ds(j * 16, 16)]
        plsc.addupdate_scatter(hist, [idx], ones16)
        return 0

    lax.fori_loop(0, E_PER_W // 16, _acc, 0)

    pltpu.sync_copy(hist, hist_all.at[s])
    plsc.subcore_barrier()

    def _zeroacc(i, _):
        accbuf[pl.ds(i * 16, 16)] = zeros16
        return 0

    lax.fori_loop(0, BINS_PER_SUB // 16, _zeroacc, 0)

    def _combine(t, _):
        pltpu.sync_copy(hist_all.at[t, pl.ds(s * BINS_PER_SUB, BINS_PER_SUB)],
                        tmp)

        def _add(j, _):
            sl = pl.ds(j * 16, 16)
            accbuf[sl] = accbuf[sl] + tmp[sl]
            return 0

        lax.fori_loop(0, BINS_PER_SUB // 16, _add, 0)
        return 0

    lax.fori_loop(0, NS, _combine, 0)

    pltpu.sync_copy(accbuf,
                    out_hbm.at[pl.ds(c * HBINS + s * BINS_PER_SUB, BINS_PER_SUB)])


_hist_kernel = pl.kernel(
    _hist_body,
    out_type=jax.ShapeDtypeStruct((NC * HBINS,), jnp.float32),
    mesh=_MESH,
    scratch_types=[
        pltpu.VMEM((E_PER_W,), jnp.int32),
        pltpu.VMEM((HBINS,), jnp.float32),
        pltpu.VMEM((BINS_PER_SUB,), jnp.float32),
        pltpu.VMEM((BINS_PER_SUB,), jnp.float32),
        pltpu.VMEM_SHARED((NS, HBINS), jnp.float32),
    ],
    compiler_params=pltpu.CompilerParams(needs_layout_passes=False),
)


def _agg_body(y_hbm, src_hbm, dst_hbm, out_hbm, srcb, dstb0, dstb1,
              rows0, rows1, acc, sem0, sem1, semi0, semi1):
    c = lax.axis_index("c")
    s = lax.axis_index("s")
    w = c * NS + s
    base = w * EPW_PAD

    zeros16 = jnp.zeros((16,), jnp.float32)

    def _zrows(t, _):
        rows0[t // 8, pl.ds((t % 8) * 16, 16)] = zeros16
        return 0

    lax.fori_loop(0, K * 8, _zrows, 0)

    def _zacc(j, _):
        pltpu.sync_copy(rows0, acc.at[pl.ds(s * ACC_PER_SUB + j * K, K)])
        return 0

    lax.fori_loop(0, ACC_PER_SUB // K, _zacc, 0)

    pltpu.sync_copy(src_hbm.at[pl.ds(base, EPW_PAD)], srcb)
    plsc.subcore_barrier()

    yc = y_hbm.at[c]
    pltpu.async_copy(dst_hbm.at[pl.ds(base, K)], dstb0, semi0)
    pltpu.async_copy(yc.at[srcb.at[pl.ds(0, K)]], rows0, sem0)

    def _pair(i, _):
        g = i * 2
        pltpu.async_copy(dst_hbm.at[pl.ds(base + (g + 1) * K, K)], dstb1,
                         semi1)
        pltpu.make_async_copy(yc.at[srcb.at[pl.ds(0, K)]], rows0,
                              sem0).wait()
        pltpu.async_copy(yc.at[srcb.at[pl.ds((g + 1) * K, K)]], rows1, sem1)
        pltpu.make_async_copy(dst_hbm.at[pl.ds(base, K)], dstb0, semi0).wait()
        pltpu.sync_copy(rows0, acc.at[dstb0], add=True)

        @pl.when(i < CHUNKS // 2 - 1)
        def _():
            pltpu.async_copy(dst_hbm.at[pl.ds(base + (g + 2) * K, K)], dstb0,
                             semi0)

        pltpu.make_async_copy(yc.at[srcb.at[pl.ds(0, K)]], rows1,
                              sem1).wait()

        @pl.when(i < CHUNKS // 2 - 1)
        def _():
            pltpu.async_copy(yc.at[srcb.at[pl.ds((g + 2) * K, K)]], rows0,
                             sem0)

        pltpu.make_async_copy(dst_hbm.at[pl.ds(base, K)], dstb1, semi1).wait()
        pltpu.sync_copy(rows1, acc.at[dstb1], add=True)
        return 0

    lax.fori_loop(0, CHUNKS // 2, _pair, 0)
    plsc.subcore_barrier()

    pltpu.sync_copy(acc.at[pl.ds(s * ACC_PER_SUB, ACC_PER_SUB)],
                    out_hbm.at[c, pl.ds(s * ACC_PER_SUB, ACC_PER_SUB)])


_agg_kernel = pl.kernel(
    _agg_body,
    out_type=jax.ShapeDtypeStruct((NC, ACC_ROWS, D), jnp.float32),
    mesh=_MESH,
    scratch_types=[
        pltpu.VMEM((EPW_PAD,), jnp.int32),
        pltpu.VMEM((K,), jnp.int32),
        pltpu.VMEM((K,), jnp.int32),
        pltpu.VMEM((K, D), jnp.float32),
        pltpu.VMEM((K, D), jnp.float32),
        pltpu.VMEM_SHARED((ACC_ROWS, D), jnp.float32),
        pltpu.SemaphoreType.DMA,
        pltpu.SemaphoreType.DMA,
        pltpu.SemaphoreType.DMA,
        pltpu.SemaphoreType.DMA,
    ],
    compiler_params=pltpu.CompilerParams(needs_layout_passes=False),
)


_BLK = 1000
_GRID = N // _BLK


def _mm1_body(cnt_ref, x_ref, w_ref, y_ref, s_ref):
    deg = cnt_ref[0] + cnt_ref[1] + 1.0
    dinv = lax.rsqrt(deg)
    xw = jnp.dot(x_ref[...], w_ref[...], preferred_element_type=jnp.float32)
    y = dinv * xw
    y_ref[0] = y
    y_ref[1] = y
    s_ref[...] = (dinv * dinv) * xw


def _mm1(cnt, x, w):
    return pl.pallas_call(
        _mm1_body,
        grid=(_GRID,),
        in_specs=[
            pl.BlockSpec((2, _BLK, 1), lambda i: (0, i, 0)),
            pl.BlockSpec((_BLK, D), lambda i: (i, 0)),
            pl.BlockSpec((D, D), lambda i: (0, 0)),
        ],
        out_specs=[
            pl.BlockSpec((2, _BLK, D), lambda i: (0, i, 0)),
            pl.BlockSpec((_BLK, D), lambda i: (i, 0)),
        ],
        out_shape=[
            jax.ShapeDtypeStruct((2, N, D), jnp.float32),
            jax.ShapeDtypeStruct((N, D), jnp.float32),
        ],
    )(cnt, x, w)


def _mm2_body(cnt_ref, parts_ref, s1_ref, b1_ref, w_ref, y_ref, s_ref):
    deg = cnt_ref[0] + cnt_ref[1] + 1.0
    dinv = lax.rsqrt(deg)
    agg = parts_ref[0] + parts_ref[1]
    h = jnp.maximum(dinv * agg + s1_ref[...] + b1_ref[...], 0.0)
    hw = jnp.dot(h, w_ref[...], preferred_element_type=jnp.float32)
    y = dinv * hw
    y_ref[0] = y
    y_ref[1] = y
    s_ref[...] = (dinv * dinv) * hw


def _mm2(cnt, parts, s1, b1, w):
    return pl.pallas_call(
        _mm2_body,
        grid=(_GRID,),
        in_specs=[
            pl.BlockSpec((2, _BLK, 1), lambda i: (0, i, 0)),
            pl.BlockSpec((2, _BLK, D), lambda i: (0, i, 0)),
            pl.BlockSpec((_BLK, D), lambda i: (i, 0)),
            pl.BlockSpec((1, D), lambda i: (0, 0)),
            pl.BlockSpec((D, D), lambda i: (0, 0)),
        ],
        out_specs=[
            pl.BlockSpec((2, _BLK, D), lambda i: (0, i, 0)),
            pl.BlockSpec((_BLK, D), lambda i: (i, 0)),
        ],
        out_shape=[
            jax.ShapeDtypeStruct((2, N, D), jnp.float32),
            jax.ShapeDtypeStruct((N, D), jnp.float32),
        ],
    )(cnt, parts, s1, b1, w)


def _fin_body(cnt_ref, parts_ref, s2_ref, b2_ref, out_ref):
    deg = cnt_ref[0] + cnt_ref[1] + 1.0
    dinv = lax.rsqrt(deg)
    agg = parts_ref[0] + parts_ref[1]
    out_ref[...] = dinv * agg + s2_ref[...] + b2_ref[...]


def _fin(cnt, parts, s2, b2):
    return pl.pallas_call(
        _fin_body,
        grid=(_GRID,),
        in_specs=[
            pl.BlockSpec((2, _BLK, 1), lambda i: (0, i, 0)),
            pl.BlockSpec((2, _BLK, D), lambda i: (0, i, 0)),
            pl.BlockSpec((_BLK, D), lambda i: (i, 0)),
            pl.BlockSpec((1, D), lambda i: (0, 0)),
        ],
        out_specs=pl.BlockSpec((_BLK, D), lambda i: (i, 0)),
        out_shape=jax.ShapeDtypeStruct((N, D), jnp.float32),
    )(cnt, parts, s2, b2)


@jax.jit
def kernel(t, x, edge_index, W1, b1, W2, b2):
    src = edge_index[0]
    dst = edge_index[1]

    pad = E_PAD - E
    src_p = jnp.concatenate([src, jnp.arange(pad, dtype=src.dtype) % N])
    dead = N + jnp.arange(pad, dtype=dst.dtype) % (ACC_ROWS - N)
    dst_p = jnp.concatenate([dst, dead])

    counts = _hist_kernel(dst)
    cnt = counts.reshape(NC, HBINS, 1)[:, :N]

    y1, s1 = _mm1(cnt, x, W1)
    parts1 = _agg_kernel(y1, src_p, dst_p)
    y2, s2 = _mm2(cnt, parts1, s1, b1.reshape(1, D), W2)
    parts2 = _agg_kernel(y2, src_p, dst_p)
    return _fin(cnt, parts2, s2, b2.reshape(1, D))

# --- scband reference (transcript-rebuilt; emitter-appended) ---
"""Pipeline reference for scband-odefunc-2946347565914 (READ-ONLY COPY).

The authoritative reference and input builder live on the scoring server;
editing this copy changes nothing except your own understanding.
"""

import jax, jax.numpy as jnp
import numpy as np

N = 10000
E = 320000
D_IN = 128
D_HID = 128


def setup_inputs(seed: int = 0) -> dict:
    key = jax.random.key(seed)
    k1, k2, k3, k4 = jax.random.split(key, 4)
    t = jnp.zeros((), dtype=jnp.float32)
    x = jax.random.normal(k1, (N, D_IN), dtype=jnp.float32)
    edge_index = jax.random.randint(k2, (2, E), 0, N)
    # GCNConv parameters (glorot-ish init)
    W1 = jax.random.normal(k3, (D_IN, D_HID), dtype=jnp.float32) * (1.0 / np.sqrt(D_IN))
    b1 = jnp.zeros((D_HID,), dtype=jnp.float32)
    W2 = jax.random.normal(k4, (D_HID, D_HID), dtype=jnp.float32) * (1.0 / np.sqrt(D_HID))
    b2 = jnp.zeros((D_HID,), dtype=jnp.float32)
    return {"t": t, "x": x, "edge_index": edge_index, "W1": W1, "b1": b1, "W2": W2, "b2": b2}


def gcn_conv(x, edge_index, W, b, n):
    # Kipf & Welling GCN layer: D^{-1/2} (A + I) D^{-1/2} X W + b
    src = edge_index[0]
    dst = edge_index[1]
    loop = jnp.arange(n, dtype=src.dtype)
    src = jnp.concatenate([src, loop])
    dst = jnp.concatenate([dst, loop])
    deg = jnp.zeros((n,), dtype=x.dtype).at[dst].add(1.0)
    dinv = jnp.where(deg > 0, jax.lax.rsqrt(jnp.maximum(deg, 1e-12)), 0.0)
    coef = dinv[src] * dinv[dst]
    xw = x @ W
    msg = jnp.take(xw, src, axis=0) * coef[:, None]
    out = jnp.zeros((n, W.shape[1]), dtype=x.dtype).at[dst].add(msg)
    return out + b


def reference(t, x, edge_index, W1, b1, W2, b2):
    n = x.shape[0]
    h = gcn_conv(x, edge_index, W1, b1, n)
    h = jax.nn.relu(h)
    out = gcn_conv(h, edge_index, W2, b2, n)
    return out

if __name__ == "__main__":
    import jax
    _d = setup_inputs()
    print(jax.jit(kernel)(*tuple(_d.values())))

</pallas_src>

<mosaic_0001>
#map = affine_map<(d0, d1) -> (0)>
module attributes {stable_mosaic.version = 14 : i64} {
  func.func @_hist_body(%arg0: i32, %arg1: i32, %arg2: memref<320000xi32, #tpu.memory_space<hbm>>, %arg3: memref<20480xf32, #tpu.memory_space<hbm>>, %arg4: memref<10000xi32, #tpu.memory_space<vmem>>, %arg5: memref<10240xf32, #tpu.memory_space<vmem>>, %arg6: memref<640xf32, #tpu.memory_space<vmem>>, %arg7: memref<640xf32, #tpu.memory_space<vmem>>, %arg8: memref<16x10240xf32, #tpu.memory_space<vmem_shared>>) attributes {dimension_semantics = [#tpu.dimension_semantics<core_parallel>, #tpu.dimension_semantics<subcore_parallel>], iteration_bounds = array<i64: 2, 16>, scalar_prefetch = 0 : i64, scratch_operands = 5 : i64, tpu.core_type = #tpu.core_type<sc_vector_subcore>, window_params = [{transform_indices = #map}, {transform_indices = #map}]} {
    %mul3A = arith.constant 16 : i32
    %mul3A_0 = arith.muli %arg0, %mul3A : i32
    %add3A = arith.addi %mul3A_0, %arg1 : i32
    %broadcast_in_dim3A = arith.constant 0.000000e+00 : f32
    %broadcast_in_dim3A_1 = vector.broadcast %broadcast_in_dim3A : f32 to vector<16xf32>
    %scan3A = arith.constant 0 : i32
    %scan3A_2 = arith.constant 0 : i32
    %scan3A_3 = arith.constant 640 : i32
    %scan3A_4 = arith.addi %scan3A_2, %scan3A_3 : i32
    %scan3A_5 = arith.constant 1 : i32
    %scan3A_6 = scf.for %scan3A_38 = %scan3A_2 to %scan3A_4 step %scan3A_5 iter_args(%scan3A_39 = %scan3A) -> (i32)  : i32 {
      %mul3A_40 = arith.constant 16 : i32
      %mul3A_41 = arith.muli %scan3A_38, %mul3A_40 : i32
      %swap3A = arith.index_cast %mul3A_41 : i32 to index
      %swap3A_42 = tpu.vector_load %arg5[%swap3A] {strides = array<i32>} : memref<10240xf32, #tpu.memory_space<vmem>>, vector<16xf32>,
      tpu.vector_store %arg5[%swap3A], %broadcast_in_dim3A_1 {strides = array<i32>} : memref<10240xf32, #tpu.memory_space<vmem>>, vector<16xf32>,
      %scan3A_43 = arith.constant 0 : i32
      scf.yield %scan3A_43 : i32
    }
    %scan3A_7 = arith.constant 640 : i32
    %mul3A_8 = arith.constant 10000 : i32
    %mul3A_9 = arith.muli %add3A, %mul3A_8 : i32
    "tpu.region"() ({
      %run_scoped3A = tpu.sem_alloc : memref<!tpu.dma_semaphore, #tpu.memory_space<semaphore_mem>>
      %dma_start3A = tpu.memref_slice %arg2[%mul3A_9] : memref<320000xi32, #tpu.memory_space<hbm>> -> memref<10000xi32, #tpu.memory_space<hbm>>
      %dma_start3A_38 = tpu.memref_slice %arg2[%mul3A_9] : memref<320000xi32, #tpu.memory_space<hbm>> -> memref<10000xi32, #tpu.memory_space<hbm>>
      tpu.enqueue_dma source(%dma_start3A_38 : memref<10000xi32, #tpu.memory_space<hbm>>) target(%arg4 : memref<10000xi32, #tpu.memory_space<vmem>>) target_semaphore(%run_scoped3A : memref<!tpu.dma_semaphore, #tpu.memory_space<semaphore_mem>>)
      %dma_wait3A = tpu.memref_slice %arg2[%mul3A_9] : memref<320000xi32, #tpu.memory_space<hbm>> -> memref<10000xi32, #tpu.memory_space<hbm>>
      %dma_wait3A_39 = tpu.memref_slice %arg2[%mul3A_9] : memref<320000xi32, #tpu.memory_space<hbm>> -> memref<10000xi32, #tpu.memory_space<hbm>>
      tpu.wait_dma2 semaphore(%run_scoped3A : memref<!tpu.dma_semaphore, #tpu.memory_space<semaphore_mem>>) src(%dma_wait3A_39 : memref<10000xi32, #tpu.memory_space<hbm>>) dst(%arg4 : memref<10000xi32, #tpu.memory_space<vmem>>)
      tpu.yield
    }) : () -> ()
    %broadcast_in_dim3A_10 = arith.constant 1.000000e+00 : f32
    %broadcast_in_dim3A_11 = vector.broadcast %broadcast_in_dim3A_10 : f32 to vector<16xf32>
    %scan3A_12 = arith.constant 0 : i32
    %scan3A_13 = arith.constant 0 : i32
    %scan3A_14 = arith.constant 625 : i32
    %scan3A_15 = arith.addi %scan3A_13, %scan3A_14 : i32
    %scan3A_16 = arith.constant 1 : i32
    %scan3A_17 = scf.for %scan3A_38 = %scan3A_13 to %scan3A_15 step %scan3A_16 iter_args(%scan3A_39 = %scan3A_12) -> (i32)  : i32 {
      %mul3A_40 = arith.constant 16 : i32
      %mul3A_41 = arith.muli %scan3A_38, %mul3A_40 : i32
      %get3A = arith.index_cast %mul3A_41 : i32 to index
      %get3A_42 = tpu.vector_load %arg4[%get3A] {strides = array<i32>} : memref<10000xi32, #tpu.memory_space<vmem>>, vector<16xi32>,
      tpu.vector_store_idx %arg5[%get3A_42], %broadcast_in_dim3A_11 {add = true} : memref<10240xf32, #tpu.memory_space<vmem>>[vector<16xi32>], vector<16xf32>,
      %scan3A_43 = arith.constant 0 : i32
      scf.yield %scan3A_43 : i32
    }
    %scan3A_18 = arith.constant 625 : i32
    "tpu.region"() ({
      %run_scoped3A = tpu.sem_alloc : memref<!tpu.dma_semaphore, #tpu.memory_space<semaphore_mem>>
      %dma_start3A = arith.constant 0 : i32
      %dma_start3A_38 = tpu.memref_slice %arg8[%arg1, %dma_start3A] : memref<16x10240xf32, #tpu.memory_space<vmem_shared>> -> memref<1x10240xf32, #tpu.memory_space<vmem_shared>>
      %dma_start3A_39 = tpu.memref_squeeze %dma_start3A_38 : memref<1x10240xf32, #tpu.memory_space<vmem_shared>> -> memref<10240xf32, #tpu.memory_space<vmem_shared>>
      %dma_start3A_40 = arith.constant 0 : i32
      %dma_start3A_41 = tpu.memref_slice %arg8[%arg1, %dma_start3A_40] : memref<16x10240xf32, #tpu.memory_space<vmem_shared>> -> memref<1x10240xf32, #tpu.memory_space<vmem_shared>>
      %dma_start3A_42 = tpu.memref_squeeze %dma_start3A_41 : memref<1x10240xf32, #tpu.memory_space<vmem_shared>> -> memref<10240xf32, #tpu.memory_space<vmem_shared>>
      tpu.enqueue_dma source(%arg5 : memref<10240xf32, #tpu.memory_space<vmem>>) target(%dma_start3A_42 : memref<10240xf32, #tpu.memory_space<vmem_shared>>) target_semaphore(%run_scoped3A : memref<!tpu.dma_semaphore, #tpu.memory_space<semaphore_mem>>)
      %dma_wait3A = arith.constant 0 : i32
      %dma_wait3A_43 = tpu.memref_slice %arg8[%arg1, %dma_wait3A] : memref<16x10240xf32, #tpu.memory_space<vmem_shared>> -> memref<1x10240xf32, #tpu.memory_space<vmem_shared>>
      %dma_wait3A_44 = tpu.memref_squeeze %dma_wait3A_43 : memref<1x10240xf32, #tpu.memory_space<vmem_shared>> -> memref<10240xf32, #tpu.memory_space<vmem_shared>>
      %dma_wait3A_45 = arith.constant 0 : i32
      %dma_wait3A_46 = tpu.memref_slice %arg8[%arg1, %dma_wait3A_45] : memref<16x10240xf32, #tpu.memory_space<vmem_shared>> -> memref<1x10240xf32, #tpu.memory_space<vmem_shared>>
      %dma_wait3A_47 = tpu.memref_squeeze %dma_wait3A_46 : memref<1x10240xf32, #tpu.memory_space<vmem_shared>> -> memref<10240xf32, #tpu.memory_space<vmem_shared>>
      tpu.wait_dma2 semaphore(%run_scoped3A : memref<!tpu.dma_semaphore, #tpu.memory_space<semaphore_mem>>) src(%arg5 : memref<10240xf32, #tpu.memory_space<vmem>>) dst(%dma_wait3A_47 : memref<10240xf32, #tpu.memory_space<vmem_shared>>)
      tpu.yield
    }) : () -> ()
    %barrier3A = arith.constant 0 : index
    tpu.barrier barrier_id(%barrier3A)
    %scan3A_19 = arith.constant 0 : i32
    %scan3A_20 = arith.constant 0 : i32
    %scan3A_21 = arith.constant 40 : i32
    %scan3A_22 = arith.addi %scan3A_20, %scan3A_21 : i32
    %scan3A_23 = arith.constant 1 : i32
    %scan3A_24 = scf.for %scan3A_38 = %scan3A_20 to %scan3A_22 step %scan3A_23 iter_args(%scan3A_39 = %scan3A_19) -> (i32)  : i32 {
      %mul3A_40 = arith.constant 16 : i32
      %mul3A_41 = arith.muli %scan3A_38, %mul3A_40 : i32
      %swap3A = arith.index_cast %mul3A_41 : i32 to index
      %swap3A_42 = tpu.vector_load %arg7[%swap3A] {strides = array<i32>} : memref<640xf32, #tpu.memory_space<vmem>>, vector<16xf32>,
      tpu.vector_store %arg7[%swap3A], %broadcast_in_dim3A_1 {strides = array<i32>} : memref<640xf32, #tpu.memory_space<vmem>>, vector<16xf32>,
      %scan3A_43 = arith.constant 0 : i32
      scf.yield %scan3A_43 : i32
    }
    %scan3A_25 = arith.constant 40 : i32
    %scan3A_26 = arith.constant 0 : i32
    %scan3A_27 = arith.constant 0 : i32
    %scan3A_28 = arith.constant 16 : i32
    %scan3A_29 = arith.addi %scan3A_27, %scan3A_28 : i32
    %scan3A_30 = arith.constant 1 : i32
    %scan3A_31 = scf.for %scan3A_38 = %scan3A_27 to %scan3A_29 step %scan3A_30 iter_args(%scan3A_39 = %scan3A_26) -> (i32)  : i32 {
      %mul3A_40 = arith.constant 640 : i32
      %mul3A_41 = arith.muli %arg1, %mul3A_40 : i32
      "tpu.region"() ({
        %run_scoped3A = tpu.sem_alloc : memref<!tpu.dma_semaphore, #tpu.memory_space<semaphore_mem>>
        %dma_start3A = tpu.memref_slice %arg8[%scan3A_38, %mul3A_41] : memref<16x10240xf32, #tpu.memory_space<vmem_shared>> -> memref<1x640xf32, #tpu.memory_space<vmem_shared>>
        %dma_start3A_50 = tpu.memref_squeeze %dma_start3A : memref<1x640xf32, #tpu.memory_space<vmem_shared>> -> memref<640xf32, #tpu.memory_space<vmem_shared>>
        %dma_start3A_51 = tpu.memref_slice %arg8[%scan3A_38, %mul3A_41] : memref<16x10240xf32, #tpu.memory_space<vmem_shared>> -> memref<1x640xf32, #tpu.memory_space<vmem_shared>>
        %dma_start3A_52 = tpu.memref_squeeze %dma_start3A_51 : memref<1x640xf32, #tpu.memory_space<vmem_shared>> -> memref<640xf32, #tpu.memory_space<vmem_shared>>
        tpu.enqueue_dma source(%dma_start3A_52 : memref<640xf32, #tpu.memory_space<vmem_shared>>) target(%arg6 : memref<640xf32, #tpu.memory_space<vmem>>) target_semaphore(%run_scoped3A : memref<!tpu.dma_semaphore, #tpu.memory_space<semaphore_mem>>)
        %dma_wait3A = tpu.memref_slice %arg8[%scan3A_38, %mul3A_41] : memref<16x10240xf32, #tpu.memory_space<vmem_shared>> -> memref<1x640xf32, #tpu.memory_space<vmem_shared>>
        %dma_wait3A_53 = tpu.memref_squeeze %dma_wait3A : memref<1x640xf32, #tpu.memory_space<vmem_shared>> -> memref<640xf32, #tpu.memory_space<vmem_shared>>
        %dma_wait3A_54 = tpu.memref_slice %arg8[%scan3A_38, %mul3A_41] : memref<16x10240xf32, #tpu.memory_space<vmem_shared>> -> memref<1x640xf32, #tpu.memory_space<vmem_shared>>
        %dma_wait3A_55 = tpu.memref_squeeze %dma_wait3A_54 : memref<1x640xf32, #tpu.memory_space<vmem_shared>> -> memref<640xf32, #tpu.memory_space<vmem_shared>>
        tpu.wait_dma2 semaphore(%run_scoped3A : memref<!tpu.dma_semaphore, #tpu.memory_space<semaphore_mem>>) src(%dma_wait3A_55 : memref<640xf32, #tpu.memory_space<vmem_shared>>) dst(%arg6 : memref<640xf32, #tpu.memory_space<vmem>>)
        tpu.yield
      }) : () -> ()
      %scan3A_42 = arith.constant 0 : i32
      %scan3A_43 = arith.constant 0 : i32
      %scan3A_44 = arith.constant 40 : i32
      %scan3A_45 = arith.addi %scan3A_43, %scan3A_44 : i32
      %scan3A_46 = arith.constant 1 : i32
      %scan3A_47 = scf.for %scan3A_50 = %scan3A_43 to %scan3A_45 step %scan3A_46 iter_args(%scan3A_51 = %scan3A_42) -> (i32)  : i32 {
        %mul3A_52 = arith.constant 16 : i32
        %mul3A_53 = arith.muli %scan3A_50, %mul3A_52 : i32
        %get3A = arith.index_cast %mul3A_53 : i32 to index
        %get3A_54 = tpu.vector_load %arg7[%get3A] {strides = array<i32>} : memref<640xf32, #tpu.memory_space<vmem>>, vector<16xf32>,
        %get3A_55 = arith.index_cast %mul3A_53 : i32 to index
        %get3A_56 = tpu.vector_load %arg6[%get3A_55] {strides = array<i32>} : memref<640xf32, #tpu.memory_space<vmem>>, vector<16xf32>,
        %add3A_57 = arith.addf %get3A_54, %get3A_56 : vector<16xf32>
        %swap3A = arith.index_cast %mul3A_53 : i32 to index
        %swap3A_58 = tpu.vector_load %arg7[%swap3A] {strides = array<i32>} : memref<640xf32, #tpu.memory_space<vmem>>, vector<16xf32>,
        tpu.vector_store %arg7[%swap3A], %add3A_57 {strides = array<i32>} : memref<640xf32, #tpu.memory_space<vmem>>, vector<16xf32>,
        %scan3A_59 = arith.constant 0 : i32
        scf.yield %scan3A_59 : i32
      }
      %scan3A_48 = arith.constant 40 : i32
      %scan3A_49 = arith.constant 0 : i32
      scf.yield %scan3A_49 : i32
    }
    %scan3A_32 = arith.constant 16 : i32
    %mul3A_33 = arith.constant 10240 : i32
    %mul3A_34 = arith.muli %arg0, %mul3A_33 : i32
    %mul3A_35 = arith.constant 640 : i32
    %mul3A_36 = arith.muli %arg1, %mul3A_35 : i32
    %add3A_37 = arith.addi %mul3A_34, %mul3A_36 : i32
    "tpu.region"() ({
      %run_scoped3A = tpu.sem_alloc : memref<!tpu.dma_semaphore, #tpu.memory_space<semaphore_mem>>
      %dma_start3A = tpu.memref_slice %arg3[%add3A_37] : memref<20480xf32, #tpu.memory_space<hbm>> -> memref<640xf32, #tpu.memory_space<hbm>>
      %dma_start3A_38 = tpu.memref_slice %arg3[%add3A_37] : memref<20480xf32, #tpu.memory_space<hbm>> -> memref<640xf32, #tpu.memory_space<hbm>>
      tpu.enqueue_dma source(%arg7 : memref<640xf32, #tpu.memory_space<vmem>>) target(%dma_start3A_38 : memref<640xf32, #tpu.memory_space<hbm>>) target_semaphore(%run_scoped3A : memref<!tpu.dma_semaphore, #tpu.memory_space<semaphore_mem>>)
      %dma_wait3A = tpu.memref_slice %arg3[%add3A_37] : memref<20480xf32, #tpu.memory_space<hbm>> -> memref<640xf32, #tpu.memory_space<hbm>>
      %dma_wait3A_39 = tpu.memref_slice %arg3[%add3A_37] : memref<20480xf32, #tpu.memory_space<hbm>> -> memref<640xf32, #tpu.memory_space<hbm>>
      tpu.wait_dma2 semaphore(%run_scoped3A : memref<!tpu.dma_semaphore, #tpu.memory_space<semaphore_mem>>) src(%arg7 : memref<640xf32, #tpu.memory_space<vmem>>) dst(%dma_wait3A_39 : memref<640xf32, #tpu.memory_space<hbm>>)
      tpu.yield
    }) : () -> ()
    return
  }
}

#map = affine_map<(d0, d1) -> (0, 0, 0)>
#map1 = affine_map<(d0, d1) -> (0)>
module attributes {stable_mosaic.version = 14 : i64} {
  func.func @_agg_body(%arg0: i32, %arg1: i32, %arg2: memref<2x10000x128xf32, #tpu.memory_space<hbm>>, %arg3: memref<327680xi32, #tpu.memory_space<hbm>>, %arg4: memref<327680xi32, #tpu.memory_space<hbm>>, %arg5: memref<2x10240x128xf32, #tpu.memory_space<hbm>>, %arg6: memref<10240xi32, #tpu.memory_space<vmem>>, %arg7: memref<128xi32, #tpu.memory_space<vmem>>, %arg8: memref<128xi32, #tpu.memory_space<vmem>>, %arg9: memref<128x128xf32, #tpu.memory_space<vmem>>, %arg10: memref<128x128xf32, #tpu.memory_space<vmem>>, %arg11: memref<10240x128xf32, #tpu.memory_space<vmem_shared>>, %arg12: memref<!tpu.dma_semaphore, #tpu.memory_space<semaphore_mem>>, %arg13: memref<!tpu.dma_semaphore, #tpu.memory_space<semaphore_mem>>, %arg14: memref<!tpu.dma_semaphore, #tpu.memory_space<semaphore_mem>>, %arg15: memref<!tpu.dma_semaphore, #tpu.memory_space<semaphore_mem>>) attributes {dimension_semantics = [#tpu.dimension_semantics<core_parallel>, #tpu.dimension_semantics<subcore_parallel>], iteration_bounds = array<i64: 2, 16>, scalar_prefetch = 0 : i64, scratch_operands = 10 : i64, tpu.core_type = #tpu.core_type<sc_vector_subcore>, window_params = [{transform_indices = #map}, {transform_indices = #map1}, {transform_indices = #map1}, {transform_indices = #map}]} {
    %mul3A = arith.constant 16 : i32
    %mul3A_0 = arith.muli %arg0, %mul3A : i32
    %add3A = arith.addi %mul3A_0, %arg1 : i32
    %mul3A_1 = arith.constant 10240 : i32
    %mul3A_2 = arith.muli %add3A, %mul3A_1 : i32
    %broadcast_in_dim3A = arith.constant 0.000000e+00 : f32
    %broadcast_in_dim3A_3 = vector.broadcast %broadcast_in_dim3A : f32 to vector<16xf32>
    %scan3A = arith.constant 0 : i32
    %scan3A_4 = arith.constant 0 : i32
    %scan3A_5 = arith.constant 1024 : i32
    %scan3A_6 = arith.addi %scan3A_4, %scan3A_5 : i32
    %scan3A_7 = arith.constant 1 : i32
    %scan3A_8 = scf.for %scan3A_39 = %scan3A_4 to %scan3A_6 step %scan3A_7 iter_args(%scan3A_40 = %scan3A) -> (i32)  : i32 {
      %jit3A = arith.constant 8 : i32
      %div3A = arith.divsi %scan3A_39, %jit3A : i32
      %sign3A = arith.constant 0 : i32
      %sign3A_41 = arith.cmpi sgt, %scan3A_39, %sign3A : i32
      %sign3A_42 = arith.extui %sign3A_41 : i1 to i32
      %sign3A_43 = arith.constant 0 : i32
      %sign3A_44 = arith.cmpi slt, %scan3A_39, %sign3A_43 : i32
      %sign3A_45 = arith.extui %sign3A_44 : i1 to i32
      %sign3A_46 = arith.subi %sign3A_42, %sign3A_45 : i32
      %sign3A_47 = arith.constant 0 : i32
      %sign3A_48 = arith.cmpi sgt, %jit3A, %sign3A_47 : i32
      %sign3A_49 = arith.extui %sign3A_48 : i1 to i32
      %sign3A_50 = arith.constant 0 : i32
      %sign3A_51 = arith.cmpi slt, %jit3A, %sign3A_50 : i32
      %sign3A_52 = arith.extui %sign3A_51 : i1 to i32
      %sign3A_53 = arith.subi %sign3A_49, %sign3A_52 : i32
      %ne3A = arith.cmpi ne, %sign3A_46, %sign3A_53 : i32
      %rem3A = arith.remsi %scan3A_39, %jit3A : i32
      %ne3A_54 = arith.constant 0 : i32
      %ne3A_55 = arith.cmpi ne, %rem3A, %ne3A_54 : i32
      %and3A = arith.andi %ne3A, %ne3A_55 : i1
      %sub3A = arith.constant 1 : i32
      %sub3A_56 = arith.subi %div3A, %sub3A : i32
      %select_n3A = arith.select %and3A, %sub3A_56, %div3A : i32
      %jit3A_57 = arith.constant 8 : i32
      %eq3A = arith.constant 0 : i32
      %eq3A_58 = arith.cmpi eq, %jit3A_57, %eq3A : i32
      %jit3A_59 = arith.constant 1 : i32
      %select_n3A_60 = arith.select %eq3A_58, %jit3A_59, %jit3A_57 : i32
      %rem3A_61 = arith.remsi %scan3A_39, %select_n3A_60 : i32
      %ne3A_62 = arith.constant 0 : i32
      %ne3A_63 = arith.cmpi ne, %rem3A_61, %ne3A_62 : i32
      %lt3A = arith.constant 0 : i32
      %lt3A_64 = arith.cmpi slt, %rem3A_61, %lt3A : i32
      %lt3A_65 = arith.constant 0 : i32
      %lt3A_66 = arith.cmpi slt, %select_n3A_60, %lt3A_65 : i32
      %ne3A_67 = arith.xori %lt3A_64, %lt3A_66 : i1
      %and3A_68 = arith.andi %ne3A_67, %ne3A_63 : i1
      %add3A_69 = arith.addi %rem3A_61, %select_n3A_60 : i32
      %select_n3A_70 = arith.select %and3A_68, %add3A_69, %rem3A_61 : i32
      %mul3A_71 = arith.constant 16 : i32
      %mul3A_72 = arith.muli %select_n3A_70, %mul3A_71 : i32
      %swap3A = arith.index_cast %select_n3A : i32 to index
      %swap3A_73 = arith.index_cast %mul3A_72 : i32 to index
      %swap3A_74 = tpu.vector_load %arg9[%swap3A, %swap3A_73] {strides = array<i32>} : memref<128x128xf32, #tpu.memory_space<vmem>>, vector<16xf32>,
      tpu.vector_store %arg9[%swap3A, %swap3A_73], %broadcast_in_dim3A_3 {strides = array<i32>} : memref<128x128xf32, #tpu.memory_space<vmem>>, vector<16xf32>,
      %scan3A_75 = arith.constant 0 : i32
      scf.yield %scan3A_75 : i32
    }
    %scan3A_9 = arith.constant 1024 : i32
    %scan3A_10 = arith.constant 0 : i32
    %scan3A_11 = arith.constant 0 : i32
    %scan3A_12 = arith.constant 5 : i32
    %scan3A_13 = arith.addi %scan3A_11, %scan3A_12 : i32
    %scan3A_14 = arith.constant 1 : i32
    %scan3A_15 = scf.for %scan3A_39 = %scan3A_11 to %scan3A_13 step %scan3A_14 iter_args(%scan3A_40 = %scan3A_10) -> (i32)  : i32 {
      %mul3A_41 = arith.constant 640 : i32
      %mul3A_42 = arith.muli %arg1, %mul3A_41 : i32
      %mul3A_43 = arith.constant 128 : i32
      %mul3A_44 = arith.muli %scan3A_39, %mul3A_43 : i32
      %add3A_45 = arith.addi %mul3A_42, %mul3A_44 : i32
      "tpu.region"() ({
        %run_scoped3A = tpu.sem_alloc : memref<!tpu.dma_semaphore, #tpu.memory_space<semaphore_mem>>
        %dma_start3A_47 = arith.constant 0 : i32
        %dma_start3A_48 = tpu.memref_slice %arg11[%add3A_45, %dma_start3A_47] : memref<10240x128xf32, #tpu.memory_space<vmem_shared>> -> memref<128x128xf32, #tpu.memory_space<vmem_shared>>
        %dma_start3A_49 = arith.constant 0 : i32
        %dma_start3A_50 = tpu.memref_slice %arg11[%add3A_45, %dma_start3A_49] : memref<10240x128xf32, #tpu.memory_space<vmem_shared>> -> memref<128x128xf32, #tpu.memory_space<vmem_shared>>
        tpu.enqueue_dma source(%arg9 : memref<128x128xf32, #tpu.memory_space<vmem>>) target(%dma_start3A_50 : memref<128x128xf32, #tpu.memory_space<vmem_shared>>) target_semaphore(%run_scoped3A : memref<!tpu.dma_semaphore, #tpu.memory_space<semaphore_mem>>)
        %dma_wait3A = arith.constant 0 : i32
        %dma_wait3A_51 = tpu.memref_slice %arg11[%add3A_45, %dma_wait3A] : memref<10240x128xf32, #tpu.memory_space<vmem_shared>> -> memref<128x128xf32, #tpu.memory_space<vmem_shared>>
        %dma_wait3A_52 = arith.constant 0 : i32
        %dma_wait3A_53 = tpu.memref_slice %arg11[%add3A_45, %dma_wait3A_52] : memref<10240x128xf32, #tpu.memory_space<vmem_shared>> -> memref<128x128xf32, #tpu.memory_space<vmem_shared>>
        tpu.wait_dma2 semaphore(%run_scoped3A : memref<!tpu.dma_semaphore, #tpu.memory_space<semaphore_mem>>) src(%arg9 : memref<128x128xf32, #tpu.memory_space<vmem>>) dst(%dma_wait3A_53 : memref<128x128xf32, #tpu.memory_space<vmem_shared>>)
        tpu.yield
      }) : () -> ()
      %scan3A_46 = arith.constant 0 : i32
      scf.yield %scan3A_46 : i32
    }
    %scan3A_16 = arith.constant 5 : i32
    "tpu.region"() ({
      %run_scoped3A = tpu.sem_alloc : memref<!tpu.dma_semaphore, #tpu.memory_space<semaphore_mem>>
      %dma_start3A_39 = tpu.memref_slice %arg3[%mul3A_2] : memref<327680xi32, #tpu.memory_space<hbm>> -> memref<10240xi32, #tpu.memory_space<hbm>>
      %dma_start3A_40 = tpu.memref_slice %arg3[%mul3A_2] : memref<327680xi32, #tpu.memory_space<hbm>> -> memref<10240xi32, #tpu.memory_space<hbm>>
      tpu.enqueue_dma source(%dma_start3A_40 : memref<10240xi32, #tpu.memory_space<hbm>>) target(%arg6 : memref<10240xi32, #tpu.memory_space<vmem>>) target_semaphore(%run_scoped3A : memref<!tpu.dma_semaphore, #tpu.memory_space<semaphore_mem>>)
      %dma_wait3A = tpu.memref_slice %arg3[%mul3A_2] : memref<327680xi32, #tpu.memory_space<hbm>> -> memref<10240xi32, #tpu.memory_space<hbm>>
      %dma_wait3A_41 = tpu.memref_slice %arg3[%mul3A_2] : memref<327680xi32, #tpu.memory_space<hbm>> -> memref<10240xi32, #tpu.memory_space<hbm>>
      tpu.wait_dma2 semaphore(%run_scoped3A : memref<!tpu.dma_semaphore, #tpu.memory_space<semaphore_mem>>) src(%dma_wait3A_41 : memref<10240xi32, #tpu.memory_space<hbm>>) dst(%arg6 : memref<10240xi32, #tpu.memory_space<vmem>>)
      tpu.yield
    }) : () -> ()
    %barrier3A = arith.constant 0 : index
    tpu.barrier barrier_id(%barrier3A)
    %dma_start3A = tpu.memref_slice %arg4[%mul3A_2] : memref<327680xi32, #tpu.memory_space<hbm>> -> memref<128xi32, #tpu.memory_space<hbm>>
    %dma_start3A_17 = tpu.memref_slice %arg4[%mul3A_2] : memref<327680xi32, #tpu.memory_space<hbm>> -> memref<128xi32, #tpu.memory_space<hbm>>
    tpu.enqueue_dma source(%dma_start3A_17 : memref<128xi32, #tpu.memory_space<hbm>>) target(%arg7 : memref<128xi32, #tpu.memory_space<vmem>>) target_semaphore(%arg14 : memref<!tpu.dma_semaphore, #tpu.memory_space<semaphore_mem>>)
    %dma_start3A_18 = arith.constant 0 : i32
    %dma_start3A_19 = tpu.memref_slice %arg6[%dma_start3A_18] : memref<10240xi32, #tpu.memory_space<vmem>> -> memref<128xi32, #tpu.memory_space<vmem>>
    %dma_start3A_20 = arith.constant 0 : i32
    %dma_start3A_21 = arith.constant 0 : i32
    %dma_start3A_22 = tpu.memref_slice %arg2[%arg0, %dma_start3A_20, %dma_start3A_21] : memref<2x10000x128xf32, #tpu.memory_space<hbm>> -> memref<1x10000x128xf32, #tpu.memory_space<hbm>>
    %dma_start3A_23 = tpu.memref_squeeze %dma_start3A_22 : memref<1x10000x128xf32, #tpu.memory_space<hbm>> -> memref<10000x128xf32, #tpu.memory_space<hbm>>
    %dma_start3A_24 = arith.constant 0 : i32
    %dma_start3A_25 = arith.constant 0 : i32
    %dma_start3A_26 = tpu.memref_slice %dma_start3A_23[%dma_start3A_24, %dma_start3A_25] : memref<10000x128xf32, #tpu.memory_space<hbm>> -> memref<10000x128xf32, #tpu.memory_space<hbm>>
    tpu.enqueue_indirect_dma source(%dma_start3A_26 : memref<10000x128xf32, #tpu.memory_space<hbm>>) target(%arg9 : memref<128x128xf32, #tpu.memory_space<vmem>>) offsets(%dma_start3A_19 : memref<128xi32, #tpu.memory_space<vmem>>) semaphore(%arg12 : memref<!tpu.dma_semaphore, #tpu.memory_space<semaphore_mem>>)
    %scan3A_27 = arith.constant 0 : i32
    %scan3A_28 = arith.constant 0 : i32
    %scan3A_29 = arith.constant 40 : i32
    %scan3A_30 = arith.addi %scan3A_28, %scan3A_29 : i32
    %scan3A_31 = arith.constant 1 : i32
    %scan3A_32 = scf.for %scan3A_39 = %scan3A_28 to %scan3A_30 step %scan3A_31 iter_args(%scan3A_40 = %scan3A_27) -> (i32)  : i32 {
      %mul3A_41 = arith.constant 2 : i32
      %mul3A_42 = arith.muli %scan3A_39, %mul3A_41 : i32
      %add3A_43 = arith.constant 1 : i32
      %add3A_44 = arith.addi %mul3A_42, %add3A_43 : i32
      %mul3A_45 = arith.constant 128 : i32
      %mul3A_46 = arith.muli %add3A_44, %mul3A_45 : i32
      %add3A_47 = arith.addi %mul3A_2, %mul3A_46 : i32
      %dma_start3A_48 = tpu.memref_slice %arg4[%add3A_47] : memref<327680xi32, #tpu.memory_space<hbm>> -> memref<128xi32, #tpu.memory_space<hbm>>
      %dma_start3A_49 = tpu.memref_slice %arg4[%add3A_47] : memref<327680xi32, #tpu.memory_space<hbm>> -> memref<128xi32, #tpu.memory_space<hbm>>
      tpu.enqueue_dma source(%dma_start3A_49 : memref<128xi32, #tpu.memory_space<hbm>>) target(%arg8 : memref<128xi32, #tpu.memory_space<vmem>>) target_semaphore(%arg15 : memref<!tpu.dma_semaphore, #tpu.memory_space<semaphore_mem>>)
      %dma_wait3A = arith.constant 0 : i32
      %dma_wait3A_50 = tpu.memref_slice %arg6[%dma_wait3A] : memref<10240xi32, #tpu.memory_space<vmem>> -> memref<128xi32, #tpu.memory_space<vmem>>
      %dma_wait3A_51 = arith.constant 0 : i32
      %dma_wait3A_52 = arith.constant 0 : i32
      %dma_wait3A_53 = tpu.memref_slice %arg2[%arg0, %dma_wait3A_51, %dma_wait3A_52] : memref<2x10000x128xf32, #tpu.memory_space<hbm>> -> memref<1x10000x128xf32, #tpu.memory_space<hbm>>
      %dma_wait3A_54 = tpu.memref_squeeze %dma_wait3A_53 : memref<1x10000x128xf32, #tpu.memory_space<hbm>> -> memref<10000x128xf32, #tpu.memory_space<hbm>>
      %dma_wait3A_55 = arith.constant 0 : i32
      %dma_wait3A_56 = arith.constant 0 : i32
      %dma_wait3A_57 = tpu.memref_slice %dma_wait3A_54[%dma_wait3A_55, %dma_wait3A_56] : memref<10000x128xf32, #tpu.memory_space<hbm>> -> memref<10000x128xf32, #tpu.memory_space<hbm>>
      tpu.wait_indirect_dma semaphore(%arg12 : memref<!tpu.dma_semaphore, #tpu.memory_space<semaphore_mem>>) src(%dma_wait3A_57 : memref<10000x128xf32, #tpu.memory_space<hbm>>) dst(%arg9 : memref<128x128xf32, #tpu.memory_space<vmem>>)
      %add3A_58 = arith.constant 1 : i32
      %add3A_59 = arith.addi %mul3A_42, %add3A_58 : i32
      %mul3A_60 = arith.constant 128 : i32
      %mul3A_61 = arith.muli %add3A_59, %mul3A_60 : i32
      %dma_start3A_62 = tpu.memref_slice %arg6[%mul3A_61] : memref<10240xi32, #tpu.memory_space<vmem>> -> memref<128xi32, #tpu.memory_space<vmem>>
      %dma_start3A_63 = arith.constant 0 : i32
      %dma_start3A_64 = arith.constant 0 : i32
      %dma_start3A_65 = tpu.memref_slice %arg2[%arg0, %dma_start3A_63, %dma_start3A_64] : memref<2x10000x128xf32, #tpu.memory_space<hbm>> -> memref<1x10000x128xf32, #tpu.memory_space<hbm>>
      %dma_start3A_66 = tpu.memref_squeeze %dma_start3A_65 : memref<1x10000x128xf32, #tpu.memory_space<hbm>> -> memref<10000x128xf32, #tpu.memory_space<hbm>>
      %dma_start3A_67 = arith.constant 0 : i32
      %dma_start3A_68 = arith.constant 0 : i32
      %dma_start3A_69 = tpu.memref_slice %dma_start3A_66[%dma_start3A_67, %dma_start3A_68] : memref<10000x128xf32, #tpu.memory_space<hbm>> -> memref<10000x128xf32, #tpu.memory_space<hbm>>
      tpu.enqueue_indirect_dma source(%dma_start3A_69 : memref<10000x128xf32, #tpu.memory_space<hbm>>) target(%arg10 : memref<128x128xf32, #tpu.memory_space<vmem>>) offsets(%dma_start3A_62 : memref<128xi32, #tpu.memory_space<vmem>>) semaphore(%arg13 : memref<!tpu.dma_semaphore, #tpu.memory_space<semaphore_mem>>)
      %dma_wait3A_70 = tpu.memref_slice %arg4[%mul3A_2] : memref<327680xi32, #tpu.memory_space<hbm>> -> memref<128xi32, #tpu.memory_space<hbm>>
      %dma_wait3A_71 = tpu.memref_slice %arg4[%mul3A_2] : memref<327680xi32, #tpu.memory_space<hbm>> -> memref<128xi32, #tpu.memory_space<hbm>>
      tpu.wait_dma2 semaphore(%arg14 : memref<!tpu.dma_semaphore, #tpu.memory_space<semaphore_mem>>) src(%dma_wait3A_71 : memref<128xi32, #tpu.memory_space<hbm>>) dst(%arg7 : memref<128xi32, #tpu.memory_space<vmem>>)
      "tpu.region"() ({
        %run_scoped3A = tpu.sem_alloc : memref<!tpu.dma_semaphore, #tpu.memory_space<semaphore_mem>>
        %dma_start3A_91 = arith.constant 0 : i32
        %dma_start3A_92 = arith.constant 0 : i32
        %dma_start3A_93 = tpu.memref_slice %arg11[%dma_start3A_91, %dma_start3A_92] : memref<10240x128xf32, #tpu.memory_space<vmem_shared>> -> memref<10240x128xf32, #tpu.memory_space<vmem_shared>>
        tpu.enqueue_indirect_dma source(%arg9 : memref<128x128xf32, #tpu.memory_space<vmem>>) target(%dma_start3A_93 : memref<10240x128xf32, #tpu.memory_space<vmem_shared>>) offsets(%arg7 : memref<128xi32, #tpu.memory_space<vmem>>) semaphore(%run_scoped3A : memref<!tpu.dma_semaphore, #tpu.memory_space<semaphore_mem>>) {add = true}
        %dma_wait3A_94 = arith.constant 0 : i32
        %dma_wait3A_95 = arith.constant 0 : i32
        %dma_wait3A_96 = tpu.memref_slice %arg11[%dma_wait3A_94, %dma_wait3A_95] : memref<10240x128xf32, #tpu.memory_space<vmem_shared>> -> memref<10240x128xf32, #tpu.memory_space<vmem_shared>>
        tpu.wait_indirect_dma semaphore(%run_scoped3A : memref<!tpu.dma_semaphore, #tpu.memory_space<semaphore_mem>>) src(%arg9 : memref<128x128xf32, #tpu.memory_space<vmem>>) dst(%dma_wait3A_96 : memref<10240x128xf32, #tpu.memory_space<vmem_shared>>)
        tpu.yield
      }) : () -> ()
      %lt3A = arith.constant 39 : i32
      %lt3A_72 = arith.cmpi slt, %scan3A_39, %lt3A : i32
      %convert_element_type3A = arith.extui %lt3A_72 : i1 to i32
      %cond3A = arith.constant 0 : i32
      %cond3A_73 = arith.cmpi ne, %convert_element_type3A, %cond3A : i32
      scf.if %cond3A_73 {
        %add3A_91 = arith.constant 2 : i32
        %add3A_92 = arith.addi %mul3A_42, %add3A_91 : i32
        %mul3A_93 = arith.constant 128 : i32
        %mul3A_94 = arith.muli %add3A_92, %mul3A_93 : i32
        %add3A_95 = arith.addi %mul3A_2, %mul3A_94 : i32
        %dma_start3A_96 = tpu.memref_slice %arg4[%add3A_95] : memref<327680xi32, #tpu.memory_space<hbm>> -> memref<128xi32, #tpu.memory_space<hbm>>
        %dma_start3A_97 = tpu.memref_slice %arg4[%add3A_95] : memref<327680xi32, #tpu.memory_space<hbm>> -> memref<128xi32, #tpu.memory_space<hbm>>
        tpu.enqueue_dma source(%dma_start3A_97 : memref<128xi32, #tpu.memory_space<hbm>>) target(%arg7 : memref<128xi32, #tpu.memory_space<vmem>>) target_semaphore(%arg14 : memref<!tpu.dma_semaphore, #tpu.memory_space<semaphore_mem>>)
      } else {
      }
      %dma_wait3A_74 = arith.constant 0 : i32
      %dma_wait3A_75 = tpu.memref_slice %arg6[%dma_wait3A_74] : memref<10240xi32, #tpu.memory_space<vmem>> -> memref<128xi32, #tpu.memory_space<vmem>>
      %dma_wait3A_76 = arith.constant 0 : i32
      %dma_wait3A_77 = arith.constant 0 : i32
      %dma_wait3A_78 = tpu.memref_slice %arg2[%arg0, %dma_wait3A_76, %dma_wait3A_77] : memref<2x10000x128xf32, #tpu.memory_space<hbm>> -> memref<1x10000x128xf32, #tpu.memory_space<hbm>>
      %dma_wait3A_79 = tpu.memref_squeeze %dma_wait3A_78 : memref<1x10000x128xf32, #tpu.memory_space<hbm>> -> memref<10000x128xf32, #tpu.memory_space<hbm>>
      %dma_wait3A_80 = arith.constant 0 : i32
      %dma_wait3A_81 = arith.constant 0 : i32
      %dma_wait3A_82 = tpu.memref_slice %dma_wait3A_79[%dma_wait3A_80, %dma_wait3A_81] : memref<10000x128xf32, #tpu.memory_space<hbm>> -> memref<10000x128xf32, #tpu.memory_space<hbm>>
      tpu.wait_indirect_dma semaphore(%arg13 : memref<!tpu.dma_semaphore, #tpu.memory_space<semaphore_mem>>) src(%dma_wait3A_82 : memref<10000x128xf32, #tpu.memory_space<hbm>>) dst(%arg10 : memref<128x128xf32, #tpu.memory_space<vmem>>)
      %lt3A_83 = arith.constant 39 : i32
      %lt3A_84 = arith.cmpi slt, %scan3A_39, %lt3A_83 : i32
      %convert_element_type3A_85 = arith.extui %lt3A_84 : i1 to i32
      %cond3A_86 = arith.constant 0 : i32
      %cond3A_87 = arith.cmpi ne, %convert_element_type3A_85, %cond3A_86 : i32
      scf.if %cond3A_87 {
        %add3A_91 = arith.constant 2 : i32
        %add3A_92 = arith.addi %mul3A_42, %add3A_91 : i32
        %mul3A_93 = arith.constant 128 : i32
        %mul3A_94 = arith.muli %add3A_92, %mul3A_93 : i32
        %dma_start3A_95 = tpu.memref_slice %arg6[%mul3A_94] : memref<10240xi32, #tpu.memory_space<vmem>> -> memref<128xi32, #tpu.memory_space<vmem>>
        %dma_start3A_96 = arith.constant 0 : i32
        %dma_start3A_97 = arith.constant 0 : i32
        %dma_start3A_98 = tpu.memref_slice %arg2[%arg0, %dma_start3A_96, %dma_start3A_97] : memref<2x10000x128xf32, #tpu.memory_space<hbm>> -> memref<1x10000x128xf32, #tpu.memory_space<hbm>>
        %dma_start3A_99 = tpu.memref_squeeze %dma_start3A_98 : memref<1x10000x128xf32, #tpu.memory_space<hbm>> -> memref<10000x128xf32, #tpu.memory_space<hbm>>
        %dma_start3A_100 = arith.constant 0 : i32
        %dma_start3A_101 = arith.constant 0 : i32
        %dma_start3A_102 = tpu.memref_slice %dma_start3A_99[%dma_start3A_100, %dma_start3A_101] : memref<10000x128xf32, #tpu.memory_space<hbm>> -> memref<10000x128xf32, #tpu.memory_space<hbm>>
        tpu.enqueue_indirect_dma source(%dma_start3A_102 : memref<10000x128xf32, #tpu.memory_space<hbm>>) target(%arg9 : memref<128x128xf32, #tpu.memory_space<vmem>>) offsets(%dma_start3A_95 : memref<128xi32, #tpu.memory_space<vmem>>) semaphore(%arg12 : memref<!tpu.dma_semaphore, #tpu.memory_space<semaphore_mem>>)
      } else {
      }
      %dma_wait3A_88 = tpu.memref_slice %arg4[%mul3A_2] : memref<327680xi32, #tpu.memory_space<hbm>> -> memref<128xi32, #tpu.memory_space<hbm>>
      %dma_wait3A_89 = tpu.memref_slice %arg4[%mul3A_2] : memref<327680xi32, #tpu.memory_space<hbm>> -> memref<128xi32, #tpu.memory_space<hbm>>
      tpu.wait_dma2 semaphore(%arg15 : memref<!tpu.dma_semaphore, #tpu.memory_space<semaphore_mem>>) src(%dma_wait3A_89 : memref<128xi32, #tpu.memory_space<hbm>>) dst(%arg8 : memref<128xi32, #tpu.memory_space<vmem>>)
      "tpu.region"() ({
        %run_scoped3A = tpu.sem_alloc : memref<!tpu.dma_semaphore, #tpu.memory_space<semaphore_mem>>
        %dma_start3A_91 = arith.constant 0 : i32
        %dma_start3A_92 = arith.constant 0 : i32
        %dma_start3A_93 = tpu.memref_slice %arg11[%dma_start3A_91, %dma_start3A_92] : memref<10240x128xf32, #tpu.memory_space<vmem_shared>> -> memref<10240x128xf32, #tpu.memory_space<vmem_shared>>
        tpu.enqueue_indirect_dma source(%arg10 : memref<128x128xf32, #tpu.memory_space<vmem>>) target(%dma_start3A_93 : memref<10240x128xf32, #tpu.memory_space<vmem_shared>>) offsets(%arg8 : memref<128xi32, #tpu.memory_space<vmem>>) semaphore(%run_scoped3A : memref<!tpu.dma_semaphore, #tpu.memory_space<semaphore_mem>>) {add = true}
        %dma_wait3A_94 = arith.constant 0 : i32
        %dma_wait3A_95 = arith.constant 0 : i32
        %dma_wait3A_96 = tpu.memref_slice %arg11[%dma_wait3A_94, %dma_wait3A_95] : memref<10240x128xf32, #tpu.memory_space<vmem_shared>> -> memref<10240x128xf32, #tpu.memory_space<vmem_shared>>
        tpu.wait_indirect_dma semaphore(%run_scoped3A : memref<!tpu.dma_semaphore, #tpu.memory_space<semaphore_mem>>) src(%arg10 : memref<128x128xf32, #tpu.memory_space<vmem>>) dst(%dma_wait3A_96 : memref<10240x128xf32, #tpu.memory_space<vmem_shared>>)
        tpu.yield
      }) : () -> ()
      %scan3A_90 = arith.constant 0 : i32
      scf.yield %scan3A_90 : i32
    }
    %scan3A_33 = arith.constant 40 : i32
    %barrier3A_34 = arith.constant 0 : index
    tpu.barrier barrier_id(%barrier3A_34)
    %mul3A_35 = arith.constant 640 : i32
    %mul3A_36 = arith.muli %arg1, %mul3A_35 : i32
    %mul3A_37 = arith.constant 640 : i32
    %mul3A_38 = arith.muli %arg1, %mul3A_37 : i32
    "tpu.region"() ({
      %run_scoped3A = tpu.sem_alloc : memref<!tpu.dma_semaphore, #tpu.memory_space<semaphore_mem>>
      %dma_start3A_39 = arith.constant 0 : i32
      %dma_start3A_40 = tpu.memref_slice %arg5[%arg0, %mul3A_38, %dma_start3A_39] : memref<2x10240x128xf32, #tpu.memory_space<hbm>> -> memref<1x640x128xf32, #tpu.memory_space<hbm>>
      %dma_start3A_41 = tpu.memref_squeeze %dma_start3A_40 : memref<1x640x128xf32, #tpu.memory_space<hbm>> -> memref<640x128xf32, #tpu.memory_space<hbm>>
      %dma_start3A_42 = arith.constant 0 : i32
      %dma_start3A_43 = tpu.memref_slice %arg11[%mul3A_36, %dma_start3A_42] : memref<10240x128xf32, #tpu.memory_space<vmem_shared>> -> memref<640x128xf32, #tpu.memory_space<vmem_shared>>
      tpu.enqueue_dma source(%dma_start3A_43 : memref<640x128xf32, #tpu.memory_space<vmem_shared>>) target(%dma_start3A_41 : memref<640x128xf32, #tpu.memory_space<hbm>>) target_semaphore(%run_scoped3A : memref<!tpu.dma_semaphore, #tpu.memory_space<semaphore_mem>>)
      %dma_wait3A = arith.constant 0 : i32
      %dma_wait3A_44 = tpu.memref_slice %arg5[%arg0, %mul3A_38, %dma_wait3A] : memref<2x10240x128xf32, #tpu.memory_space<hbm>> -> memref<1x640x128xf32, #tpu.memory_space<hbm>>
      %dma_wait3A_45 = tpu.memref_squeeze %dma_wait3A_44 : memref<1x640x128xf32, #tpu.memory_space<hbm>> -> memref<640x128xf32, #tpu.memory_space<hbm>>
      %dma_wait3A_46 = arith.constant 0 : i32
      %dma_wait3A_47 = tpu.memref_slice %arg11[%mul3A_36, %dma_wait3A_46] : memref<10240x128xf32, #tpu.memory_space<vmem_shared>> -> memref<640x128xf32, #tpu.memory_space<vmem_shared>>
      tpu.wait_dma2 semaphore(%run_scoped3A : memref<!tpu.dma_semaphore, #tpu.memory_space<semaphore_mem>>) src(%dma_wait3A_47 : memref<640x128xf32, #tpu.memory_space<vmem_shared>>) dst(%dma_wait3A_45 : memref<640x128xf32, #tpu.memory_space<hbm>>)
      tpu.yield
    }) : () -> ()
    return
  }
}

#map = affine_map<(d0, d1) -> (0, 0, 0)>
#map1 = affine_map<(d0, d1) -> (0)>
module attributes {stable_mosaic.version = 14 : i64} {
  func.func @_agg_body(%arg0: i32, %arg1: i32, %arg2: memref<2x10000x128xf32, #tpu.memory_space<hbm>>, %arg3: memref<327680xi32, #tpu.memory_space<hbm>>, %arg4: memref<327680xi32, #tpu.memory_space<hbm>>, %arg5: memref<2x10240x128xf32, #tpu.memory_space<hbm>>, %arg6: memref<10240xi32, #tpu.memory_space<vmem>>, %arg7: memref<128xi32, #tpu.memory_space<vmem>>, %arg8: memref<128xi32, #tpu.memory_space<vmem>>, %arg9: memref<128x128xf32, #tpu.memory_space<vmem>>, %arg10: memref<128x128xf32, #tpu.memory_space<vmem>>, %arg11: memref<10240x128xf32, #tpu.memory_space<vmem_shared>>, %arg12: memref<!tpu.dma_semaphore, #tpu.memory_space<semaphore_mem>>, %arg13: memref<!tpu.dma_semaphore, #tpu.memory_space<semaphore_mem>>, %arg14: memref<!tpu.dma_semaphore, #tpu.memory_space<semaphore_mem>>, %arg15: memref<!tpu.dma_semaphore, #tpu.memory_space<semaphore_mem>>) attributes {dimension_semantics = [#tpu.dimension_semantics<core_parallel>, #tpu.dimension_semantics<subcore_parallel>], iteration_bounds = array<i64: 2, 16>, scalar_prefetch = 0 : i64, scratch_operands = 10 : i64, tpu.core_type = #tpu.core_type<sc_vector_subcore>, window_params = [{transform_indices = #map}, {transform_indices = #map1}, {transform_indices = #map1}, {transform_indices = #map}]} {
    %mul3A = arith.constant 16 : i32
    %mul3A_0 = arith.muli %arg0, %mul3A : i32
    %add3A = arith.addi %mul3A_0, %arg1 : i32
    %mul3A_1 = arith.constant 10240 : i32
    %mul3A_2 = arith.muli %add3A, %mul3A_1 : i32
    %broadcast_in_dim3A = arith.constant 0.000000e+00 : f32
    %broadcast_in_dim3A_3 = vector.broadcast %broadcast_in_dim3A : f32 to vector<16xf32>
    %scan3A = arith.constant 0 : i32
    %scan3A_4 = arith.constant 0 : i32
    %scan3A_5 = arith.constant 1024 : i32
    %scan3A_6 = arith.addi %scan3A_4, %scan3A_5 : i32
    %scan3A_7 = arith.constant 1 : i32
    %scan3A_8 = scf.for %scan3A_39 = %scan3A_4 to %scan3A_6 step %scan3A_7 iter_args(%scan3A_40 = %scan3A) -> (i32)  : i32 {
      %jit3A = arith.constant 8 : i32
      %div3A = arith.divsi %scan3A_39, %jit3A : i32
      %sign3A = arith.constant 0 : i32
      %sign3A_41 = arith.cmpi sgt, %scan3A_39, %sign3A : i32
      %sign3A_42 = arith.extui %sign3A_41 : i1 to i32
      %sign3A_43 = arith.constant 0 : i32
      %sign3A_44 = arith.cmpi slt, %scan3A_39, %sign3A_43 : i32
      %sign3A_45 = arith.extui %sign3A_44 : i1 to i32
      %sign3A_46 = arith.subi %sign3A_42, %sign3A_45 : i32
      %sign3A_47 = arith.constant 0 : i32
      %sign3A_48 = arith.cmpi sgt, %jit3A, %sign3A_47 : i32
      %sign3A_49 = arith.extui %sign3A_48 : i1 to i32
      %sign3A_50 = arith.constant 0 : i32
      %sign3A_51 = arith.cmpi slt, %jit3A, %sign3A_50 : i32
      %sign3A_52 = arith.extui %sign3A_51 : i1 to i32
      %sign3A_53 = arith.subi %sign3A_49, %sign3A_52 : i32
      %ne3A = arith.cmpi ne, %sign3A_46, %sign3A_53 : i32
      %rem3A = arith.remsi %scan3A_39, %jit3A : i32
      %ne3A_54 = arith.constant 0 : i32
      %ne3A_55 = arith.cmpi ne, %rem3A, %ne3A_54 : i32
      %and3A = arith.andi %ne3A, %ne3A_55 : i1
      %sub3A = arith.constant 1 : i32
      %sub3A_56 = arith.subi %div3A, %sub3A : i32
      %select_n3A = arith.select %and3A, %sub3A_56, %div3A : i32
      %jit3A_57 = arith.constant 8 : i32
      %eq3A = arith.constant 0 : i32
      %eq3A_58 = arith.cmpi eq, %jit3A_57, %eq3A : i32
      %jit3A_59 = arith.constant 1 : i32
      %select_n3A_60 = arith.select %eq3A_58, %jit3A_59, %jit3A_57 : i32
      %rem3A_61 = arith.remsi %scan3A_39, %select_n3A_60 : i32
      %ne3A_62 = arith.constant 0 : i32
      %ne3A_63 = arith.cmpi ne, %rem3A_61, %ne3A_62 : i32
      %lt3A = arith.constant 0 : i32
      %lt3A_64 = arith.cmpi slt, %rem3A_61, %lt3A : i32
      %lt3A_65 = arith.constant 0 : i32
      %lt3A_66 = arith.cmpi slt, %select_n3A_60, %lt3A_65 : i32
      %ne3A_67 = arith.xori %lt3A_64, %lt3A_66 : i1
      %and3A_68 = arith.andi %ne3A_67, %ne3A_63 : i1
      %add3A_69 = arith.addi %rem3A_61, %select_n3A_60 : i32
      %select_n3A_70 = arith.select %and3A_68, %add3A_69, %rem3A_61 : i32
      %mul3A_71 = arith.constant 16 : i32
      %mul3A_72 = arith.muli %select_n3A_70, %mul3A_71 : i32
      %swap3A = arith.index_cast %select_n3A : i32 to index
      %swap3A_73 = arith.index_cast %mul3A_72 : i32 to index
      %swap3A_74 = tpu.vector_load %arg9[%swap3A, %swap3A_73] {strides = array<i32>} : memref<128x128xf32, #tpu.memory_space<vmem>>, vector<16xf32>,
      tpu.vector_store %arg9[%swap3A, %swap3A_73], %broadcast_in_dim3A_3 {strides = array<i32>} : memref<128x128xf32, #tpu.memory_space<vmem>>, vector<16xf32>,
      %scan3A_75 = arith.constant 0 : i32
      scf.yield %scan3A_75 : i32
    }
    %scan3A_9 = arith.constant 1024 : i32
    %scan3A_10 = arith.constant 0 : i32
    %scan3A_11 = arith.constant 0 : i32
    %scan3A_12 = arith.constant 5 : i32
    %scan3A_13 = arith.addi %scan3A_11, %scan3A_12 : i32
    %scan3A_14 = arith.constant 1 : i32
    %scan3A_15 = scf.for %scan3A_39 = %scan3A_11 to %scan3A_13 step %scan3A_14 iter_args(%scan3A_40 = %scan3A_10) -> (i32)  : i32 {
      %mul3A_41 = arith.constant 640 : i32
      %mul3A_42 = arith.muli %arg1, %mul3A_41 : i32
      %mul3A_43 = arith.constant 128 : i32
      %mul3A_44 = arith.muli %scan3A_39, %mul3A_43 : i32
      %add3A_45 = arith.addi %mul3A_42, %mul3A_44 : i32
      "tpu.region"() ({
        %run_scoped3A = tpu.sem_alloc : memref<!tpu.dma_semaphore, #tpu.memory_space<semaphore_mem>>
        %dma_start3A_47 = arith.constant 0 : i32
        %dma_start3A_48 = tpu.memref_slice %arg11[%add3A_45, %dma_start3A_47] : memref<10240x128xf32, #tpu.memory_space<vmem_shared>> -> memref<128x128xf32, #tpu.memory_space<vmem_shared>>
        %dma_start3A_49 = arith.constant 0 : i32
        %dma_start3A_50 = tpu.memref_slice %arg11[%add3A_45, %dma_start3A_49] : memref<10240x128xf32, #tpu.memory_space<vmem_shared>> -> memref<128x128xf32, #tpu.memory_space<vmem_shared>>
        tpu.enqueue_dma source(%arg9 : memref<128x128xf32, #tpu.memory_space<vmem>>) target(%dma_start3A_50 : memref<128x128xf32, #tpu.memory_space<vmem_shared>>) target_semaphore(%run_scoped3A : memref<!tpu.dma_semaphore, #tpu.memory_space<semaphore_mem>>)
        %dma_wait3A = arith.constant 0 : i32
        %dma_wait3A_51 = tpu.memref_slice %arg11[%add3A_45, %dma_wait3A] : memref<10240x128xf32, #tpu.memory_space<vmem_shared>> -> memref<128x128xf32, #tpu.memory_space<vmem_shared>>
        %dma_wait3A_52 = arith.constant 0 : i32
        %dma_wait3A_53 = tpu.memref_slice %arg11[%add3A_45, %dma_wait3A_52] : memref<10240x128xf32, #tpu.memory_space<vmem_shared>> -> memref<128x128xf32, #tpu.memory_space<vmem_shared>>
        tpu.wait_dma2 semaphore(%run_scoped3A : memref<!tpu.dma_semaphore, #tpu.memory_space<semaphore_mem>>) src(%arg9 : memref<128x128xf32, #tpu.memory_space<vmem>>) dst(%dma_wait3A_53 : memref<128x128xf32, #tpu.memory_space<vmem_shared>>)
        tpu.yield
      }) : () -> ()
      %scan3A_46 = arith.constant 0 : i32
      scf.yield %scan3A_46 : i32
    }
    %scan3A_16 = arith.constant 5 : i32
    "tpu.region"() ({
      %run_scoped3A = tpu.sem_alloc : memref<!tpu.dma_semaphore, #tpu.memory_space<semaphore_mem>>
      %dma_start3A_39 = tpu.memref_slice %arg3[%mul3A_2] : memref<327680xi32, #tpu.memory_space<hbm>> -> memref<10240xi32, #tpu.memory_space<hbm>>
      %dma_start3A_40 = tpu.memref_slice %arg3[%mul3A_2] : memref<327680xi32, #tpu.memory_space<hbm>> -> memref<10240xi32, #tpu.memory_space<hbm>>
      tpu.enqueue_dma source(%dma_start3A_40 : memref<10240xi32, #tpu.memory_space<hbm>>) target(%arg6 : memref<10240xi32, #tpu.memory_space<vmem>>) target_semaphore(%run_scoped3A : memref<!tpu.dma_semaphore, #tpu.memory_space<semaphore_mem>>)
      %dma_wait3A = tpu.memref_slice %arg3[%mul3A_2] : memref<327680xi32, #tpu.memory_space<hbm>> -> memref<10240xi32, #tpu.memory_space<hbm>>
      %dma_wait3A_41 = tpu.memref_slice %arg3[%mul3A_2] : memref<327680xi32, #tpu.memory_space<hbm>> -> memref<10240xi32, #tpu.memory_space<hbm>>
      tpu.wait_dma2 semaphore(%run_scoped3A : memref<!tpu.dma_semaphore, #tpu.memory_space<semaphore_mem>>) src(%dma_wait3A_41 : memref<10240xi32, #tpu.memory_space<hbm>>) dst(%arg6 : memref<10240xi32, #tpu.memory_space<vmem>>)
      tpu.yield
    }) : () -> ()
    %barrier3A = arith.constant 0 : index
    tpu.barrier barrier_id(%barrier3A)
    %dma_start3A = tpu.memref_slice %arg4[%mul3A_2] : memref<327680xi32, #tpu.memory_space<hbm>> -> memref<128xi32, #tpu.memory_space<hbm>>
    %dma_start3A_17 = tpu.memref_slice %arg4[%mul3A_2] : memref<327680xi32, #tpu.memory_space<hbm>> -> memref<128xi32, #tpu.memory_space<hbm>>
    tpu.enqueue_dma source(%dma_start3A_17 : memref<128xi32, #tpu.memory_space<hbm>>) target(%arg7 : memref<128xi32, #tpu.memory_space<vmem>>) target_semaphore(%arg14 : memref<!tpu.dma_semaphore, #tpu.memory_space<semaphore_mem>>)
    %dma_start3A_18 = arith.constant 0 : i32
    %dma_start3A_19 = tpu.memref_slice %arg6[%dma_start3A_18] : memref<10240xi32, #tpu.memory_space<vmem>> -> memref<128xi32, #tpu.memory_space<vmem>>
    %dma_start3A_20 = arith.constant 0 : i32
    %dma_start3A_21 = arith.constant 0 : i32
    %dma_start3A_22 = tpu.memref_slice %arg2[%arg0, %dma_start3A_20, %dma_start3A_21] : memref<2x10000x128xf32, #tpu.memory_space<hbm>> -> memref<1x10000x128xf32, #tpu.memory_space<hbm>>
    %dma_start3A_23 = tpu.memref_squeeze %dma_start3A_22 : memref<1x10000x128xf32, #tpu.memory_space<hbm>> -> memref<10000x128xf32, #tpu.memory_space<hbm>>
    %dma_start3A_24 = arith.constant 0 : i32
    %dma_start3A_25 = arith.constant 0 : i32
    %dma_start3A_26 = tpu.memref_slice %dma_start3A_23[%dma_start3A_24, %dma_start3A_25] : memref<10000x128xf32, #tpu.memory_space<hbm>> -> memref<10000x128xf32, #tpu.memory_space<hbm>>
    tpu.enqueue_indirect_dma source(%dma_start3A_26 : memref<10000x128xf32, #tpu.memory_space<hbm>>) target(%arg9 : memref<128x128xf32, #tpu.memory_space<vmem>>) offsets(%dma_start3A_19 : memref<128xi32, #tpu.memory_space<vmem>>) semaphore(%arg12 : memref<!tpu.dma_semaphore, #tpu.memory_space<semaphore_mem>>)
    %scan3A_27 = arith.constant 0 : i32
    %scan3A_28 = arith.constant 0 : i32
    %scan3A_29 = arith.constant 40 : i32
    %scan3A_30 = arith.addi %scan3A_28, %scan3A_29 : i32
    %scan3A_31 = arith.constant 1 : i32
    %scan3A_32 = scf.for %scan3A_39 = %scan3A_28 to %scan3A_30 step %scan3A_31 iter_args(%scan3A_40 = %scan3A_27) -> (i32)  : i32 {
      %mul3A_41 = arith.constant 2 : i32
      %mul3A_42 = arith.muli %scan3A_39, %mul3A_41 : i32
      %add3A_43 = arith.constant 1 : i32
      %add3A_44 = arith.addi %mul3A_42, %add3A_43 : i32
      %mul3A_45 = arith.constant 128 : i32
      %mul3A_46 = arith.muli %add3A_44, %mul3A_45 : i32
      %add3A_47 = arith.addi %mul3A_2, %mul3A_46 : i32
      %dma_start3A_48 = tpu.memref_slice %arg4[%add3A_47] : memref<327680xi32, #tpu.memory_space<hbm>> -> memref<128xi32, #tpu.memory_space<hbm>>
      %dma_start3A_49 = tpu.memref_slice %arg4[%add3A_47] : memref<327680xi32, #tpu.memory_space<hbm>> -> memref<128xi32, #tpu.memory_space<hbm>>
      tpu.enqueue_dma source(%dma_start3A_49 : memref<128xi32, #tpu.memory_space<hbm>>) target(%arg8 : memref<128xi32, #tpu.memory_space<vmem>>) target_semaphore(%arg15 : memref<!tpu.dma_semaphore, #tpu.memory_space<semaphore_mem>>)
      %dma_wait3A = arith.constant 0 : i32
      %dma_wait3A_50 = tpu.memref_slice %arg6[%dma_wait3A] : memref<10240xi32, #tpu.memory_space<vmem>> -> memref<128xi32, #tpu.memory_space<vmem>>
      %dma_wait3A_51 = arith.constant 0 : i32
      %dma_wait3A_52 = arith.constant 0 : i32
      %dma_wait3A_53 = tpu.memref_slice %arg2[%arg0, %dma_wait3A_51, %dma_wait3A_52] : memref<2x10000x128xf32, #tpu.memory_space<hbm>> -> memref<1x10000x128xf32, #tpu.memory_space<hbm>>
      %dma_wait3A_54 = tpu.memref_squeeze %dma_wait3A_53 : memref<1x10000x128xf32, #tpu.memory_space<hbm>> -> memref<10000x128xf32, #tpu.memory_space<hbm>>
      %dma_wait3A_55 = arith.constant 0 : i32
      %dma_wait3A_56 = arith.constant 0 : i32
      %dma_wait3A_57 = tpu.memref_slice %dma_wait3A_54[%dma_wait3A_55, %dma_wait3A_56] : memref<10000x128xf32, #tpu.memory_space<hbm>> -> memref<10000x128xf32, #tpu.memory_space<hbm>>
      tpu.wait_indirect_dma semaphore(%arg12 : memref<!tpu.dma_semaphore, #tpu.memory_space<semaphore_mem>>) src(%dma_wait3A_57 : memref<10000x128xf32, #tpu.memory_space<hbm>>) dst(%arg9 : memref<128x128xf32, #tpu.memory_space<vmem>>)
      %add3A_58 = arith.constant 1 : i32
      %add3A_59 = arith.addi %mul3A_42, %add3A_58 : i32
      %mul3A_60 = arith.constant 128 : i32
      %mul3A_61 = arith.muli %add3A_59, %mul3A_60 : i32
      %dma_start3A_62 = tpu.memref_slice %arg6[%mul3A_61] : memref<10240xi32, #tpu.memory_space<vmem>> -> memref<128xi32, #tpu.memory_space<vmem>>
      %dma_start3A_63 = arith.constant 0 : i32
      %dma_start3A_64 = arith.constant 0 : i32
      %dma_start3A_65 = tpu.memref_slice %arg2[%arg0, %dma_start3A_63, %dma_start3A_64] : memref<2x10000x128xf32, #tpu.memory_space<hbm>> -> memref<1x10000x128xf32, #tpu.memory_space<hbm>>
      %dma_start3A_66 = tpu.memref_squeeze %dma_start3A_65 : memref<1x10000x128xf32, #tpu.memory_space<hbm>> -> memref<10000x128xf32, #tpu.memory_space<hbm>>
      %dma_start3A_67 = arith.constant 0 : i32
      %dma_start3A_68 = arith.constant 0 : i32
      %dma_start3A_69 = tpu.memref_slice %dma_start3A_66[%dma_start3A_67, %dma_start3A_68] : memref<10000x128xf32, #tpu.memory_space<hbm>> -> memref<10000x128xf32, #tpu.memory_space<hbm>>
      tpu.enqueue_indirect_dma source(%dma_start3A_69 : memref<10000x128xf32, #tpu.memory_space<hbm>>) target(%arg10 : memref<128x128xf32, #tpu.memory_space<vmem>>) offsets(%dma_start3A_62 : memref<128xi32, #tpu.memory_space<vmem>>) semaphore(%arg13 : memref<!tpu.dma_semaphore, #tpu.memory_space<semaphore_mem>>)
      %dma_wait3A_70 = tpu.memref_slice %arg4[%mul3A_2] : memref<327680xi32, #tpu.memory_space<hbm>> -> memref<128xi32, #tpu.memory_space<hbm>>
      %dma_wait3A_71 = tpu.memref_slice %arg4[%mul3A_2] : memref<327680xi32, #tpu.memory_space<hbm>> -> memref<128xi32, #tpu.memory_space<hbm>>
      tpu.wait_dma2 semaphore(%arg14 : memref<!tpu.dma_semaphore, #tpu.memory_space<semaphore_mem>>) src(%dma_wait3A_71 : memref<128xi32, #tpu.memory_space<hbm>>) dst(%arg7 : memref<128xi32, #tpu.memory_space<vmem>>)
      "tpu.region"() ({
        %run_scoped3A = tpu.sem_alloc : memref<!tpu.dma_semaphore, #tpu.memory_space<semaphore_mem>>
        %dma_start3A_91 = arith.constant 0 : i32
        %dma_start3A_92 = arith.constant 0 : i32
        %dma_start3A_93 = tpu.memref_slice %arg11[%dma_start3A_91, %dma_start3A_92] : memref<10240x128xf32, #tpu.memory_space<vmem_shared>> -> memref<10240x128xf32, #tpu.memory_space<vmem_shared>>
        tpu.enqueue_indirect_dma source(%arg9 : memref<128x128xf32, #tpu.memory_space<vmem>>) target(%dma_start3A_93 : memref<10240x128xf32, #tpu.memory_space<vmem_shared>>) offsets(%arg7 : memref<128xi32, #tpu.memory_space<vmem>>) semaphore(%run_scoped3A : memref<!tpu.dma_semaphore, #tpu.memory_space<semaphore_mem>>) {add = true}
        %dma_wait3A_94 = arith.constant 0 : i32
        %dma_wait3A_95 = arith.constant 0 : i32
        %dma_wait3A_96 = tpu.memref_slice %arg11[%dma_wait3A_94, %dma_wait3A_95] : memref<10240x128xf32, #tpu.memory_space<vmem_shared>> -> memref<10240x128xf32, #tpu.memory_space<vmem_shared>>
        tpu.wait_indirect_dma semaphore(%run_scoped3A : memref<!tpu.dma_semaphore, #tpu.memory_space<semaphore_mem>>) src(%arg9 : memref<128x128xf32, #tpu.memory_space<vmem>>) dst(%dma_wait3A_96 : memref<10240x128xf32, #tpu.memory_space<vmem_shared>>)
        tpu.yield
      }) : () -> ()
      %lt3A = arith.constant 39 : i32
      %lt3A_72 = arith.cmpi slt, %scan3A_39, %lt3A : i32
      %convert_element_type3A = arith.extui %lt3A_72 : i1 to i32
      %cond3A = arith.constant 0 : i32
      %cond3A_73 = arith.cmpi ne, %convert_element_type3A, %cond3A : i32
      scf.if %cond3A_73 {
        %add3A_91 = arith.constant 2 : i32
        %add3A_92 = arith.addi %mul3A_42, %add3A_91 : i32
        %mul3A_93 = arith.constant 128 : i32
        %mul3A_94 = arith.muli %add3A_92, %mul3A_93 : i32
        %add3A_95 = arith.addi %mul3A_2, %mul3A_94 : i32
        %dma_start3A_96 = tpu.memref_slice %arg4[%add3A_95] : memref<327680xi32, #tpu.memory_space<hbm>> -> memref<128xi32, #tpu.memory_space<hbm>>
        %dma_start3A_97 = tpu.memref_slice %arg4[%add3A_95] : memref<327680xi32, #tpu.memory_space<hbm>> -> memref<128xi32, #tpu.memory_space<hbm>>
        tpu.enqueue_dma source(%dma_start3A_97 : memref<128xi32, #tpu.memory_space<hbm>>) target(%arg7 : memref<128xi32, #tpu.memory_space<vmem>>) target_semaphore(%arg14 : memref<!tpu.dma_semaphore, #tpu.memory_space<semaphore_mem>>)
      } else {
      }
      %dma_wait3A_74 = arith.constant 0 : i32
      %dma_wait3A_75 = tpu.memref_slice %arg6[%dma_wait3A_74] : memref<10240xi32, #tpu.memory_space<vmem>> -> memref<128xi32, #tpu.memory_space<vmem>>
      %dma_wait3A_76 = arith.constant 0 : i32
      %dma_wait3A_77 = arith.constant 0 : i32
      %dma_wait3A_78 = tpu.memref_slice %arg2[%arg0, %dma_wait3A_76, %dma_wait3A_77] : memref<2x10000x128xf32, #tpu.memory_space<hbm>> -> memref<1x10000x128xf32, #tpu.memory_space<hbm>>
      %dma_wait3A_79 = tpu.memref_squeeze %dma_wait3A_78 : memref<1x10000x128xf32, #tpu.memory_space<hbm>> -> memref<10000x128xf32, #tpu.memory_space<hbm>>
      %dma_wait3A_80 = arith.constant 0 : i32
      %dma_wait3A_81 = arith.constant 0 : i32
      %dma_wait3A_82 = tpu.memref_slice %dma_wait3A_79[%dma_wait3A_80, %dma_wait3A_81] : memref<10000x128xf32, #tpu.memory_space<hbm>> -> memref<10000x128xf32, #tpu.memory_space<hbm>>
      tpu.wait_indirect_dma semaphore(%arg13 : memref<!tpu.dma_semaphore, #tpu.memory_space<semaphore_mem>>) src(%dma_wait3A_82 : memref<10000x128xf32, #tpu.memory_space<hbm>>) dst(%arg10 : memref<128x128xf32, #tpu.memory_space<vmem>>)
      %lt3A_83 = arith.constant 39 : i32
      %lt3A_84 = arith.cmpi slt, %scan3A_39, %lt3A_83 : i32
      %convert_element_type3A_85 = arith.extui %lt3A_84 : i1 to i32
      %cond3A_86 = arith.constant 0 : i32
      %cond3A_87 = arith.cmpi ne, %convert_element_type3A_85, %cond3A_86 : i32
      scf.if %cond3A_87 {
        %add3A_91 = arith.constant 2 : i32
        %add3A_92 = arith.addi %mul3A_42, %add3A_91 : i32
        %mul3A_93 = arith.constant 128 : i32
        %mul3A_94 = arith.muli %add3A_92, %mul3A_93 : i32
        %dma_start3A_95 = tpu.memref_slice %arg6[%mul3A_94] : memref<10240xi32, #tpu.memory_space<vmem>> -> memref<128xi32, #tpu.memory_space<vmem>>
        %dma_start3A_96 = arith.constant 0 : i32
        %dma_start3A_97 = arith.constant 0 : i32
        %dma_start3A_98 = tpu.memref_slice %arg2[%arg0, %dma_start3A_96, %dma_start3A_97] : memref<2x10000x128xf32, #tpu.memory_space<hbm>> -> memref<1x10000x128xf32, #tpu.memory_space<hbm>>
        %dma_start3A_99 = tpu.memref_squeeze %dma_start3A_98 : memref<1x10000x128xf32, #tpu.memory_space<hbm>> -> memref<10000x128xf32, #tpu.memory_space<hbm>>
        %dma_start3A_100 = arith.constant 0 : i32
        %dma_start3A_101 = arith.constant 0 : i32
        %dma_start3A_102 = tpu.memref_slice %dma_start3A_99[%dma_start3A_100, %dma_start3A_101] : memref<10000x128xf32, #tpu.memory_space<hbm>> -> memref<10000x128xf32, #tpu.memory_space<hbm>>
        tpu.enqueue_indirect_dma source(%dma_start3A_102 : memref<10000x128xf32, #tpu.memory_space<hbm>>) target(%arg9 : memref<128x128xf32, #tpu.memory_space<vmem>>) offsets(%dma_start3A_95 : memref<128xi32, #tpu.memory_space<vmem>>) semaphore(%arg12 : memref<!tpu.dma_semaphore, #tpu.memory_space<semaphore_mem>>)
      } else {
      }
      %dma_wait3A_88 = tpu.memref_slice %arg4[%mul3A_2] : memref<327680xi32, #tpu.memory_space<hbm>> -> memref<128xi32, #tpu.memory_space<hbm>>
      %dma_wait3A_89 = tpu.memref_slice %arg4[%mul3A_2] : memref<327680xi32, #tpu.memory_space<hbm>> -> memref<128xi32, #tpu.memory_space<hbm>>
      tpu.wait_dma2 semaphore(%arg15 : memref<!tpu.dma_semaphore, #tpu.memory_space<semaphore_mem>>) src(%dma_wait3A_89 : memref<128xi32, #tpu.memory_space<hbm>>) dst(%arg8 : memref<128xi32, #tpu.memory_space<vmem>>)
      "tpu.region"() ({
        %run_scoped3A = tpu.sem_alloc : memref<!tpu.dma_semaphore, #tpu.memory_space<semaphore_mem>>
        %dma_start3A_91 = arith.constant 0 : i32
        %dma_start3A_92 = arith.constant 0 : i32
        %dma_start3A_93 = tpu.memref_slice %arg11[%dma_start3A_91, %dma_start3A_92] : memref<10240x128xf32, #tpu.memory_space<vmem_shared>> -> memref<10240x128xf32, #tpu.memory_space<vmem_shared>>
        tpu.enqueue_indirect_dma source(%arg10 : memref<128x128xf32, #tpu.memory_space<vmem>>) target(%dma_start3A_93 : memref<10240x128xf32, #tpu.memory_space<vmem_shared>>) offsets(%arg8 : memref<128xi32, #tpu.memory_space<vmem>>) semaphore(%run_scoped3A : memref<!tpu.dma_semaphore, #tpu.memory_space<semaphore_mem>>) {add = true}
        %dma_wait3A_94 = arith.constant 0 : i32
        %dma_wait3A_95 = arith.constant 0 : i32
        %dma_wait3A_96 = tpu.memref_slice %arg11[%dma_wait3A_94, %dma_wait3A_95] : memref<10240x128xf32, #tpu.memory_space<vmem_shared>> -> memref<10240x128xf32, #tpu.memory_space<vmem_shared>>
        tpu.wait_indirect_dma semaphore(%run_scoped3A : memref<!tpu.dma_semaphore, #tpu.memory_space<semaphore_mem>>) src(%arg10 : memref<128x128xf32, #tpu.memory_space<vmem>>) dst(%dma_wait3A_96 : memref<10240x128xf32, #tpu.memory_space<vmem_shared>>)
        tpu.yield
      }) : () -> ()
      %scan3A_90 = arith.constant 0 : i32
      scf.yield %scan3A_90 : i32
    }
    %scan3A_33 = arith.constant 40 : i32
    %barrier3A_34 = arith.constant 0 : index
    tpu.barrier barrier_id(%barrier3A_34)
    %mul3A_35 = arith.constant 640 : i32
    %mul3A_36 = arith.muli %arg1, %mul3A_35 : i32
    %mul3A_37 = arith.constant 640 : i32
    %mul3A_38 = arith.muli %arg1, %mul3A_37 : i32
    "tpu.region"() ({
      %run_scoped3A = tpu.sem_alloc : memref<!tpu.dma_semaphore, #tpu.memory_space<semaphore_mem>>
      %dma_start3A_39 = arith.constant 0 : i32
      %dma_start3A_40 = tpu.memref_slice %arg5[%arg0, %mul3A_38, %dma_start3A_39] : memref<2x10240x128xf32, #tpu.memory_space<hbm>> -> memref<1x640x128xf32, #tpu.memory_space<hbm>>
      %dma_start3A_41 = tpu.memref_squeeze %dma_start3A_40 : memref<1x640x128xf32, #tpu.memory_space<hbm>> -> memref<640x128xf32, #tpu.memory_space<hbm>>
      %dma_start3A_42 = arith.constant 0 : i32
      %dma_start3A_43 = tpu.memref_slice %arg11[%mul3A_36, %dma_start3A_42] : memref<10240x128xf32, #tpu.memory_space<vmem_shared>> -> memref<640x128xf32, #tpu.memory_space<vmem_shared>>
      tpu.enqueue_dma source(%dma_start3A_43 : memref<640x128xf32, #tpu.memory_space<vmem_shared>>) target(%dma_start3A_41 : memref<640x128xf32, #tpu.memory_space<hbm>>) target_semaphore(%run_scoped3A : memref<!tpu.dma_semaphore, #tpu.memory_space<semaphore_mem>>)
      %dma_wait3A = arith.constant 0 : i32
      %dma_wait3A_44 = tpu.memref_slice %arg5[%arg0, %mul3A_38, %dma_wait3A] : memref<2x10240x128xf32, #tpu.memory_space<hbm>> -> memref<1x640x128xf32, #tpu.memory_space<hbm>>
      %dma_wait3A_45 = tpu.memref_squeeze %dma_wait3A_44 : memref<1x640x128xf32, #tpu.memory_space<hbm>> -> memref<640x128xf32, #tpu.memory_space<hbm>>
      %dma_wait3A_46 = arith.constant 0 : i32
      %dma_wait3A_47 = tpu.memref_slice %arg11[%mul3A_36, %dma_wait3A_46] : memref<10240x128xf32, #tpu.memory_space<vmem_shared>> -> memref<640x128xf32, #tpu.memory_space<vmem_shared>>
      tpu.wait_dma2 semaphore(%run_scoped3A : memref<!tpu.dma_semaphore, #tpu.memory_space<semaphore_mem>>) src(%dma_wait3A_47 : memref<640x128xf32, #tpu.memory_space<vmem_shared>>) dst(%dma_wait3A_45 : memref<640x128xf32, #tpu.memory_space<hbm>>)
      tpu.yield
    }) : () -> ()
    return
  }
}

module attributes {stable_mosaic.version = 14 : i64} {
  func.func @_mm1_body(%arg0: i32, %arg1: memref<2x1000x1xf32, #tpu.memory_space<vmem>>, %arg2: memref<1000x128xf32, #tpu.memory_space<vmem>>, %arg3: memref<128x128xf32, #tpu.memory_space<vmem>>, %arg4: memref<2x1000x128xf32, #tpu.memory_space<vmem>>, %arg5: memref<1000x128xf32, #tpu.memory_space<vmem>>) attributes {dimension_semantics = [#tpu.dimension_semantics<arbitrary>], iteration_bounds = array<i64: 10>, scalar_prefetch = 0 : i64, scratch_operands = 0 : i64, tpu.core_type = #tpu.core_type<tc>, window_params = [{transform_indices = @transform_0, window_bounds = array<i64: 2, 1000, 1>}, {transform_indices = @transform_1, window_bounds = array<i64: 1000, 128>}, {pipeline_mode = #tpu.pipeline_mode<synchronous>, transform_indices = @transform_2, window_bounds = array<i64: 128, 128>}, {transform_indices = @transform_3, window_bounds = array<i64: 2, 1000, 128>}, {transform_indices = @transform_4, window_bounds = array<i64: 1000, 128>}]} {
    %get3A = arith.constant 0 : index
    %get3A_0 = arith.constant 0 : index
    %get3A_1 = arith.constant 0 : index
    %get3A_2 = vector.load %arg1[%get3A, %get3A_0, %get3A_1] : memref<2x1000x1xf32, #tpu.memory_space<vmem>>, vector<1x1000x1xf32>
    %get3A_3 = vector.shape_cast %get3A_2 : vector<1x1000x1xf32> to vector<1000x1xf32>
    %get3A_4 = arith.constant 1 : index
    %get3A_5 = arith.constant 0 : index
    %get3A_6 = arith.constant 0 : index
    %get3A_7 = vector.load %arg1[%get3A_4, %get3A_5, %get3A_6] : memref<2x1000x1xf32, #tpu.memory_space<vmem>>, vector<1x1000x1xf32>
    %get3A_8 = vector.shape_cast %get3A_7 : vector<1x1000x1xf32> to vector<1000x1xf32>
    %add3A = arith.addf %get3A_3, %get3A_8 : vector<1000x1xf32>
    %add3A_9 = arith.constant 1.000000e+00 : f32
    %add3A_10 = vector.broadcast %add3A_9 : f32 to vector<1000x1xf32>
    %add3A_11 = arith.addf %add3A, %add3A_10 : vector<1000x1xf32>
    %rsqrt3A = math.rsqrt %add3A_11 : vector<1000x1xf32>
    %get3A_12 = arith.constant 0 : index
    %get3A_13 = arith.constant 0 : index
    %get3A_14 = vector.load %arg2[%get3A_12, %get3A_13] : memref<1000x128xf32, #tpu.memory_space<vmem>>, vector<1000x128xf32>
    %get3A_15 = arith.constant 0 : index
    %get3A_16 = arith.constant 0 : index
    %get3A_17 = vector.load %arg3[%get3A_15, %get3A_16] : memref<128x128xf32, #tpu.memory_space<vmem>>, vector<128x128xf32>
    %dot_general3A = arith.constant dense<0.000000e+00> : vector<1000x128xf32>
    %dot_general3A_18 = tpu.matmul %get3A_14, %get3A_17, %dot_general3A {dimension_numbers = #tpu.dot_dimension_numbers<[1], [0], [0], [1], [0, 0, 1, 1], [], []>, transpose_lhs_hint = false} : vector<1000x128xf32>, vector<128x128xf32>, vector<1000x128xf32> -> vector<1000x128xf32>
    %mul3A = vector.broadcast %rsqrt3A : vector<1000x1xf32> to vector<1000x128xf32>
    %mul3A_19 = arith.mulf %mul3A, %dot_general3A_18 : vector<1000x128xf32>
    %swap3A = arith.constant 0 : index
    %swap3A_20 = arith.constant 0 : index
    %swap3A_21 = arith.constant 0 : index
    %swap3A_22 = vector.load %arg4[%swap3A, %swap3A_20, %swap3A_21] : memref<2x1000x128xf32, #tpu.memory_space<vmem>>, vector<1x1000x128xf32>
    %swap3A_23 = vector.shape_cast %swap3A_22 : vector<1x1000x128xf32> to vector<1000x128xf32>
    %swap3A_24 = vector.shape_cast %mul3A_19 : vector<1000x128xf32> to vector<1x1000x128xf32>
    tpu.vector_store %arg4[%swap3A, %swap3A_20, %swap3A_21], %swap3A_24 {strides = array<i32>} : memref<2x1000x128xf32, #tpu.memory_space<vmem>>, vector<1x1000x128xf32>,
    %swap3A_25 = arith.constant 1 : index
    %swap3A_26 = arith.constant 0 : index
    %swap3A_27 = arith.constant 0 : index
    %swap3A_28 = vector.load %arg4[%swap3A_25, %swap3A_26, %swap3A_27] : memref<2x1000x128xf32, #tpu.memory_space<vmem>>, vector<1x1000x128xf32>
    %swap3A_29 = vector.shape_cast %swap3A_28 : vector<1x1000x128xf32> to vector<1000x128xf32>
    %swap3A_30 = vector.shape_cast %mul3A_19 : vector<1000x128xf32> to vector<1x1000x128xf32>
    tpu.vector_store %arg4[%swap3A_25, %swap3A_26, %swap3A_27], %swap3A_30 {strides = array<i32>} : memref<2x1000x128xf32, #tpu.memory_space<vmem>>, vector<1x1000x128xf32>,
    %mul3A_31 = arith.mulf %rsqrt3A, %rsqrt3A : vector<1000x1xf32>
    %mul3A_32 = vector.broadcast %mul3A_31 : vector<1000x1xf32> to vector<1000x128xf32>
    %mul3A_33 = arith.mulf %mul3A_32, %dot_general3A_18 : vector<1000x128xf32>
    %swap3A_34 = arith.constant 0 : index
    %swap3A_35 = arith.constant 0 : index
    %swap3A_36 = vector.load %arg5[%swap3A_34, %swap3A_35] : memref<1000x128xf32, #tpu.memory_space<vmem>>, vector<1000x128xf32>
    tpu.vector_store %arg5[%swap3A_34, %swap3A_35], %mul3A_33 {strides = array<i32>} : memref<1000x128xf32, #tpu.memory_space<vmem>>, vector<1000x128xf32>,
    return
  }
  func.func @transform_0(%arg0: i32) -> (i32, i32, i32) {
    %c0_i32 = arith.constant 0 : i32
    %c0_i32_0 = arith.constant 0 : i32
    %c0_i32_1 = arith.constant 0 : i32
    return %c0_i32, %arg0, %c0_i32_0 : i32, i32, i32
  }
  func.func @transform_1(%arg0: i32) -> (i32, i32) {
    %c0_i32 = arith.constant 0 : i32
    %c0_i32_0 = arith.constant 0 : i32
    return %arg0, %c0_i32 : i32, i32
  }
  func.func @transform_2(%arg0: i32) -> (i32, i32) {
    %c0_i32 = arith.constant 0 : i32
    %c0_i32_0 = arith.constant 0 : i32
    %c0_i32_1 = arith.constant 0 : i32
    return %c0_i32, %c0_i32_0 : i32, i32
  }
  func.func @transform_3(%arg0: i32) -> (i32, i32, i32) {
    %c0_i32 = arith.constant 0 : i32
    %c0_i32_0 = arith.constant 0 : i32
    %c0_i32_1 = arith.constant 0 : i32
    return %c0_i32, %arg0, %c0_i32_0 : i32, i32, i32
  }
  func.func @transform_4(%arg0: i32) -> (i32, i32) {
    %c0_i32 = arith.constant 0 : i32
    %c0_i32_0 = arith.constant 0 : i32
    return %arg0, %c0_i32 : i32, i32
  }
}

module attributes {stable_mosaic.version = 14 : i64} {
  func.func @_mm2_body(%arg0: i32, %arg1: memref<2x1000x1xf32, #tpu.memory_space<vmem>>, %arg2: memref<2x1000x128xf32, #tpu.memory_space<vmem>>, %arg3: memref<1000x128xf32, #tpu.memory_space<vmem>>, %arg4: memref<1x128xf32, #tpu.memory_space<vmem>>, %arg5: memref<128x128xf32, #tpu.memory_space<vmem>>, %arg6: memref<2x1000x128xf32, #tpu.memory_space<vmem>>, %arg7: memref<1000x128xf32, #tpu.memory_space<vmem>>) attributes {dimension_semantics = [#tpu.dimension_semantics<arbitrary>], iteration_bounds = array<i64: 10>, scalar_prefetch = 0 : i64, scratch_operands = 0 : i64, tpu.core_type = #tpu.core_type<tc>, window_params = [{transform_indices = @transform_0, window_bounds = array<i64: 2, 1000, 1>}, {transform_indices = @transform_1, window_bounds = array<i64: 2, 1000, 128>}, {transform_indices = @transform_2, window_bounds = array<i64: 1000, 128>}, {pipeline_mode = #tpu.pipeline_mode<synchronous>, transform_indices = @transform_3, window_bounds = array<i64: 1, 128>}, {pipeline_mode = #tpu.pipeline_mode<synchronous>, transform_indices = @transform_4, window_bounds = array<i64: 128, 128>}, {transform_indices = @transform_5, window_bounds = array<i64: 2, 1000, 128>}, {transform_indices = @transform_6, window_bounds = array<i64: 1000, 128>}]} {
    %get3A = arith.constant 0 : index
    %get3A_0 = arith.constant 0 : index
    %get3A_1 = arith.constant 0 : index
    %get3A_2 = vector.load %arg1[%get3A, %get3A_0, %get3A_1] : memref<2x1000x1xf32, #tpu.memory_space<vmem>>, vector<1x1000x1xf32>
    %get3A_3 = vector.shape_cast %get3A_2 : vector<1x1000x1xf32> to vector<1000x1xf32>
    %get3A_4 = arith.constant 1 : index
    %get3A_5 = arith.constant 0 : index
    %get3A_6 = arith.constant 0 : index
    %get3A_7 = vector.load %arg1[%get3A_4, %get3A_5, %get3A_6] : memref<2x1000x1xf32, #tpu.memory_space<vmem>>, vector<1x1000x1xf32>
    %get3A_8 = vector.shape_cast %get3A_7 : vector<1x1000x1xf32> to vector<1000x1xf32>
    %add3A = arith.addf %get3A_3, %get3A_8 : vector<1000x1xf32>
    %add3A_9 = arith.constant 1.000000e+00 : f32
    %add3A_10 = vector.broadcast %add3A_9 : f32 to vector<1000x1xf32>
    %add3A_11 = arith.addf %add3A, %add3A_10 : vector<1000x1xf32>
    %rsqrt3A = math.rsqrt %add3A_11 : vector<1000x1xf32>
    %get3A_12 = arith.constant 0 : index
    %get3A_13 = arith.constant 0 : index
    %get3A_14 = arith.constant 0 : index
    %get3A_15 = vector.load %arg2[%get3A_12, %get3A_13, %get3A_14] : memref<2x1000x128xf32, #tpu.memory_space<vmem>>, vector<1x1000x128xf32>
    %get3A_16 = vector.shape_cast %get3A_15 : vector<1x1000x128xf32> to vector<1000x128xf32>
    %get3A_17 = arith.constant 1 : index
    %get3A_18 = arith.constant 0 : index
    %get3A_19 = arith.constant 0 : index
    %get3A_20 = vector.load %arg2[%get3A_17, %get3A_18, %get3A_19] : memref<2x1000x128xf32, #tpu.memory_space<vmem>>, vector<1x1000x128xf32>
    %get3A_21 = vector.shape_cast %get3A_20 : vector<1x1000x128xf32> to vector<1000x128xf32>
    %add3A_22 = arith.addf %get3A_16, %get3A_21 : vector<1000x128xf32>
    %mul3A = vector.broadcast %rsqrt3A : vector<1000x1xf32> to vector<1000x128xf32>
    %mul3A_23 = arith.mulf %mul3A, %add3A_22 : vector<1000x128xf32>
    %get3A_24 = arith.constant 0 : index
    %get3A_25 = arith.constant 0 : index
    %get3A_26 = vector.load %arg3[%get3A_24, %get3A_25] : memref<1000x128xf32, #tpu.memory_space<vmem>>, vector<1000x128xf32>
    %add3A_27 = arith.addf %mul3A_23, %get3A_26 : vector<1000x128xf32>
    %get3A_28 = arith.constant 0 : index
    %get3A_29 = arith.constant 0 : index
    %get3A_30 = vector.load %arg4[%get3A_28, %get3A_29] : memref<1x128xf32, #tpu.memory_space<vmem>>, vector<1x128xf32>
    %add3A_31 = vector.broadcast %get3A_30 : vector<1x128xf32> to vector<1000x128xf32>
    %add3A_32 = arith.addf %add3A_27, %add3A_31 : vector<1000x128xf32>
    %max3A = arith.constant 0.000000e+00 : f32
    %max3A_33 = vector.broadcast %max3A : f32 to vector<1000x128xf32>
    %max3A_34 = arith.maximumf %add3A_32, %max3A_33 : vector<1000x128xf32>
    %get3A_35 = arith.constant 0 : index
    %get3A_36 = arith.constant 0 : index
    %get3A_37 = vector.load %arg5[%get3A_35, %get3A_36] : memref<128x128xf32, #tpu.memory_space<vmem>>, vector<128x128xf32>
    %dot_general3A = arith.constant dense<0.000000e+00> : vector<1000x128xf32>
    %dot_general3A_38 = tpu.matmul %max3A_34, %get3A_37, %dot_general3A {dimension_numbers = #tpu.dot_dimension_numbers<[1], [0], [0], [1], [0, 0, 1, 1], [], []>, transpose_lhs_hint = false} : vector<1000x128xf32>, vector<128x128xf32>, vector<1000x128xf32> -> vector<1000x128xf32>
    %mul3A_39 = vector.broadcast %rsqrt3A : vector<1000x1xf32> to vector<1000x128xf32>
    %mul3A_40 = arith.mulf %mul3A_39, %dot_general3A_38 : vector<1000x128xf32>
    %swap3A = arith.constant 0 : index
    %swap3A_41 = arith.constant 0 : index
    %swap3A_42 = arith.constant 0 : index
    %swap3A_43 = vector.load %arg6[%swap3A, %swap3A_41, %swap3A_42] : memref<2x1000x128xf32, #tpu.memory_space<vmem>>, vector<1x1000x128xf32>
    %swap3A_44 = vector.shape_cast %swap3A_43 : vector<1x1000x128xf32> to vector<1000x128xf32>
    %swap3A_45 = vector.shape_cast %mul3A_40 : vector<1000x128xf32> to vector<1x1000x128xf32>
    tpu.vector_store %arg6[%swap3A, %swap3A_41, %swap3A_42], %swap3A_45 {strides = array<i32>} : memref<2x1000x128xf32, #tpu.memory_space<vmem>>, vector<1x1000x128xf32>,
    %swap3A_46 = arith.constant 1 : index
    %swap3A_47 = arith.constant 0 : index
    %swap3A_48 = arith.constant 0 : index
    %swap3A_49 = vector.load %arg6[%swap3A_46, %swap3A_47, %swap3A_48] : memref<2x1000x128xf32, #tpu.memory_space<vmem>>, vector<1x1000x128xf32>
    %swap3A_50 = vector.shape_cast %swap3A_49 : vector<1x1000x128xf32> to vector<1000x128xf32>
    %swap3A_51 = vector.shape_cast %mul3A_40 : vector<1000x128xf32> to vector<1x1000x128xf32>
    tpu.vector_store %arg6[%swap3A_46, %swap3A_47, %swap3A_48], %swap3A_51 {strides = array<i32>} : memref<2x1000x128xf32, #tpu.memory_space<vmem>>, vector<1x1000x128xf32>,
    %mul3A_52 = arith.mulf %rsqrt3A, %rsqrt3A : vector<1000x1xf32>
    %mul3A_53 = vector.broadcast %mul3A_52 : vector<1000x1xf32> to vector<1000x128xf32>
    %mul3A_54 = arith.mulf %mul3A_53, %dot_general3A_38 : vector<1000x128xf32>
    %swap3A_55 = arith.constant 0 : index
    %swap3A_56 = arith.constant 0 : index
    %swap3A_57 = vector.load %arg7[%swap3A_55, %swap3A_56] : memref<1000x128xf32, #tpu.memory_space<vmem>>, vector<1000x128xf32>
    tpu.vector_store %arg7[%swap3A_55, %swap3A_56], %mul3A_54 {strides = array<i32>} : memref<1000x128xf32, #tpu.memory_space<vmem>>, vector<1000x128xf32>,
    return
  }
  func.func @transform_0(%arg0: i32) -> (i32, i32, i32) {
    %c0_i32 = arith.constant 0 : i32
    %c0_i32_0 = arith.constant 0 : i32
    %c0_i32_1 = arith.constant 0 : i32
    return %c0_i32, %arg0, %c0_i32_0 : i32, i32, i32
  }
  func.func @transform_1(%arg0: i32) -> (i32, i32, i32) {
    %c0_i32 = arith.constant 0 : i32
    %c0_i32_0 = arith.constant 0 : i32
    %c0_i32_1 = arith.constant 0 : i32
    return %c0_i32, %arg0, %c0_i32_0 : i32, i32, i32
  }
  func.func @transform_2(%arg0: i32) -> (i32, i32) {
    %c0_i32 = arith.constant 0 : i32
    %c0_i32_0 = arith.constant 0 : i32
    return %arg0, %c0_i32 : i32, i32
  }
  func.func @transform_3(%arg0: i32) -> (i32, i32) {
    %c0_i32 = arith.constant 0 : i32
    %c0_i32_0 = arith.constant 0 : i32
    %c0_i32_1 = arith.constant 0 : i32
    return %c0_i32, %c0_i32_0 : i32, i32
  }
  func.func @transform_4(%arg0: i32) -> (i32, i32) {
    %c0_i32 = arith.constant 0 : i32
    %c0_i32_0 = arith.constant 0 : i32
    %c0_i32_1 = arith.constant 0 : i32
    return %c0_i32, %c0_i32_0 : i32, i32
  }
  func.func @transform_5(%arg0: i32) -> (i32, i32, i32) {
    %c0_i32 = arith.constant 0 : i32
    %c0_i32_0 = arith.constant 0 : i32
    %c0_i32_1 = arith.constant 0 : i32
    return %c0_i32, %arg0, %c0_i32_0 : i32, i32, i32
  }
  func.func @transform_6(%arg0: i32) -> (i32, i32) {
    %c0_i32 = arith.constant 0 : i32
    %c0_i32_0 = arith.constant 0 : i32
    return %arg0, %c0_i32 : i32, i32
  }
}

module attributes {stable_mosaic.version = 14 : i64} {
  func.func @_fin_body(%arg0: i32, %arg1: memref<2x1000x1xf32, #tpu.memory_space<vmem>>, %arg2: memref<2x1000x128xf32, #tpu.memory_space<vmem>>, %arg3: memref<1000x128xf32, #tpu.memory_space<vmem>>, %arg4: memref<1x128xf32, #tpu.memory_space<vmem>>, %arg5: memref<1000x128xf32, #tpu.memory_space<vmem>>) attributes {dimension_semantics = [#tpu.dimension_semantics<arbitrary>], iteration_bounds = array<i64: 10>, scalar_prefetch = 0 : i64, scratch_operands = 0 : i64, tpu.core_type = #tpu.core_type<tc>, window_params = [{transform_indices = @transform_0, window_bounds = array<i64: 2, 1000, 1>}, {transform_indices = @transform_1, window_bounds = array<i64: 2, 1000, 128>}, {transform_indices = @transform_2, window_bounds = array<i64: 1000, 128>}, {pipeline_mode = #tpu.pipeline_mode<synchronous>, transform_indices = @transform_3, window_bounds = array<i64: 1, 128>}, {transform_indices = @transform_4, window_bounds = array<i64: 1000, 128>}]} {
    %get3A = arith.constant 0 : index
    %get3A_0 = arith.constant 0 : index
    %get3A_1 = arith.constant 0 : index
    %get3A_2 = vector.load %arg1[%get3A, %get3A_0, %get3A_1] : memref<2x1000x1xf32, #tpu.memory_space<vmem>>, vector<1x1000x1xf32>
    %get3A_3 = vector.shape_cast %get3A_2 : vector<1x1000x1xf32> to vector<1000x1xf32>
    %get3A_4 = arith.constant 1 : index
    %get3A_5 = arith.constant 0 : index
    %get3A_6 = arith.constant 0 : index
    %get3A_7 = vector.load %arg1[%get3A_4, %get3A_5, %get3A_6] : memref<2x1000x1xf32, #tpu.memory_space<vmem>>, vector<1x1000x1xf32>
    %get3A_8 = vector.shape_cast %get3A_7 : vector<1x1000x1xf32> to vector<1000x1xf32>
    %add3A = arith.addf %get3A_3, %get3A_8 : vector<1000x1xf32>
    %add3A_9 = arith.constant 1.000000e+00 : f32
    %add3A_10 = vector.broadcast %add3A_9 : f32 to vector<1000x1xf32>
    %add3A_11 = arith.addf %add3A, %add3A_10 : vector<1000x1xf32>
    %rsqrt3A = math.rsqrt %add3A_11 : vector<1000x1xf32>
    %get3A_12 = arith.constant 0 : index
    %get3A_13 = arith.constant 0 : index
    %get3A_14 = arith.constant 0 : index
    %get3A_15 = vector.load %arg2[%get3A_12, %get3A_13, %get3A_14] : memref<2x1000x128xf32, #tpu.memory_space<vmem>>, vector<1x1000x128xf32>
    %get3A_16 = vector.shape_cast %get3A_15 : vector<1x1000x128xf32> to vector<1000x128xf32>
    %get3A_17 = arith.constant 1 : index
    %get3A_18 = arith.constant 0 : index
    %get3A_19 = arith.constant 0 : index
    %get3A_20 = vector.load %arg2[%get3A_17, %get3A_18, %get3A_19] : memref<2x1000x128xf32, #tpu.memory_space<vmem>>, vector<1x1000x128xf32>
    %get3A_21 = vector.shape_cast %get3A_20 : vector<1x1000x128xf32> to vector<1000x128xf32>
    %add3A_22 = arith.addf %get3A_16, %get3A_21 : vector<1000x128xf32>
    %mul3A = vector.broadcast %rsqrt3A : vector<1000x1xf32> to vector<1000x128xf32>
    %mul3A_23 = arith.mulf %mul3A, %add3A_22 : vector<1000x128xf32>
    %get3A_24 = arith.constant 0 : index
    %get3A_25 = arith.constant 0 : index
    %get3A_26 = vector.load %arg3[%get3A_24, %get3A_25] : memref<1000x128xf32, #tpu.memory_space<vmem>>, vector<1000x128xf32>
    %add3A_27 = arith.addf %mul3A_23, %get3A_26 : vector<1000x128xf32>
    %get3A_28 = arith.constant 0 : index
    %get3A_29 = arith.constant 0 : index
    %get3A_30 = vector.load %arg4[%get3A_28, %get3A_29] : memref<1x128xf32, #tpu.memory_space<vmem>>, vector<1x128xf32>
    %add3A_31 = vector.broadcast %get3A_30 : vector<1x128xf32> to vector<1000x128xf32>
    %add3A_32 = arith.addf %add3A_27, %add3A_31 : vector<1000x128xf32>
    %swap3A = arith.constant 0 : index
    %swap3A_33 = arith.constant 0 : index
    %swap3A_34 = vector.load %arg5[%swap3A, %swap3A_33] : memref<1000x128xf32, #tpu.memory_space<vmem>>, vector<1000x128xf32>
    tpu.vector_store %arg5[%swap3A, %swap3A_33], %add3A_32 {strides = array<i32>} : memref<1000x128xf32, #tpu.memory_space<vmem>>, vector<1000x128xf32>,
    return
  }
  func.func @transform_0(%arg0: i32) -> (i32, i32, i32) {
    %c0_i32 = arith.constant 0 : i32
    %c0_i32_0 = arith.constant 0 : i32
    %c0_i32_1 = arith.constant 0 : i32
    return %c0_i32, %arg0, %c0_i32_0 : i32, i32, i32
  }
  func.func @transform_1(%arg0: i32) -> (i32, i32, i32) {
    %c0_i32 = arith.constant 0 : i32
    %c0_i32_0 = arith.constant 0 : i32
    %c0_i32_1 = arith.constant 0 : i32
    return %c0_i32, %arg0, %c0_i32_0 : i32, i32, i32
  }
  func.func @transform_2(%arg0: i32) -> (i32, i32) {
    %c0_i32 = arith.constant 0 : i32
    %c0_i32_0 = arith.constant 0 : i32
    return %arg0, %c0_i32 : i32, i32
  }
  func.func @transform_3(%arg0: i32) -> (i32, i32) {
    %c0_i32 = arith.constant 0 : i32
    %c0_i32_0 = arith.constant 0 : i32
    %c0_i32_1 = arith.constant 0 : i32
    return %c0_i32, %c0_i32_0 : i32, i32
  }
  func.func @transform_4(%arg0: i32) -> (i32, i32) {
    %c0_i32 = arith.constant 0 : i32
    %c0_i32_0 = arith.constant 0 : i32
    return %arg0, %c0_i32 : i32, i32
  }
}

</mosaic_0001>

<sc_bundles>
// kernel: kernel.11.cloned.1.call-start
scs
__scs_entry_jumppad:
0x0: {  	(pc) =	sbr.rel $0x88, $3  }
0x1: {  	(tag) =	ssettag $0x0;
	lr =	simm.s32 $0x1  }
0x2: {  	[smem:$0x3F9B] =	sst lr;
	_ =	strace $0xD0000000  }
0x3: {  	_ = 	snop  }
0x4: {  	_ = 	snop  }
0x5: {  	_ = 	snop  }
0x6: {  	_ = 	snop  }
0x7: {  	_ = 	snop  }
__scs_overlays_trampoline_lowered:
0x8: {  	[smem:$0x3FAA] =	sst s0  }
0x9: {  	[smem:$0x3FAB] =	sst s1  }
0xa: {  	[smem:$0x3FAC] =	sst s2  }
0xb: {  	[smem:$0x3FAD] =	sst s3  }
0xc: {  	[smem:$0x3FAE] =	sst s4  }
0xd: {  	[smem:$0x3FAF] =	sst s5  }
0xe: {  	[smem:$0x3FB0] =	sst s6  }
0xf: {  	[smem:$0x3FB1] =	sst s7  }
0x10: {  	[smem:$0x3FB2] =	sst s8  }
0x11: {  	[smem:$0x3FB3] =	sst s9;
	s0 =	simm.s32 @!p0 $0x0  }
0x12: {  	s1 =	sld [smem:$0x3F99];
	s0 =	simm.s32 @p0 $0x1  }
0x13: {  	[smem:$0x3FB4] =	sst s0;
	s0 =	simm.s32 @!p1 $0x0  }
0x14: {  	s2 =	sld [smem:$0x3F98];
	s0 =	simm.s32 @p1 $0x1  }
0x15: {  	[smem:$0x3FB5] =	sst s0;
	s0 =	simm.s32 @!p2 $0x0  }
0x16: {  	s3 =	sld [smem:$0x3FDB];
	s0 =	simm.s32 @p2 $0x1  }
0x17: {  	s4 =	simm.s32 $0x1BF5;
	[smem:$0x3FB7] =	sst s0  }
0x18: {  	s0 =	sld [smem:$0x3F9A];
	_ =	swait.ge [sflag:s4], $0x0  }
0x19: {  	s7 =	sld [smem:$0x3F9B]  }
0x1a: {  	s8 =	sadd.s32 $0xFFFFE003, lr  }
0x1b: {  	s9 =	sadd.s32 $0xFFFFFEF7, lr;
	s5 =	simm.s32 $0xFFFFFFFF;
	p2 =	slt.u32 s8, $0xFFFFF086  }
0x1c: {  	p1 =	slt.u32 s9, $0xF7A;
	s5 =	simm.s32 @!p2 $0x0  }
0x1d: {  	s5 =	simm.s32 @p1 $0x1;
	p0 =	seq.s32 s7, s2  }
0x1e: {  	s7 =	smul.u32 @!p0 $0xF7A, s2;
	p2 =	seq.s32 @!p0 s5, $0x0  }
0x1f: {  	s9 =	smul.u32 $0xF7A, s1;
	s8 =	simm.s32 @!p0 $0x1BF5;
	p2 =	por !p2, p0  }
0x20: {  	[sflag:s8] =	ssyncset.s32 @!p0 $0xFFFFF086;
	s6 =	sadd.s32 @!p0 s3, s7;
	s7 =	simm.s32 @!p0 $0x108  }
0x21: {  	s3 =	sadd.s32 s3, s9;
	s6 =	sadd.s32 @!p0 $0x88, s6;
	s7 =	simm.s32 @p2 $0x1082  }
0x22: {  	[simem:s7], [sflag:s8] =	dma.local @!p0 [hbm:s6], $0xF7A  }
0x23: {  	s9 =	sor.u32 $0xD0000000, s2;
	s6 =	simm.s32 $0x108;
	_ =	swait.ge @!p0 [sflag:s8], $0x0  }
0x24: {  	s3 =	sadd.s32 $0x88, s3;
	s6 =	simm.s32 @!p1 $0x1082;
	[sflag:s4] =	ssyncset.s32 $0xFFFFF086  }
0x25: {  	[simem:s6], [sflag:s4] =	dma.local [hbm:s3], $0xF7A  }
0x26: {  	[smem:$0x3F9B] =	sst s1;
	(tag) =	ssettag s2;
	_ =	strace s9  }
0x27: {  	s1 =	sld [smem:$0x3FAB]  }
0x28: {  	s2 =	sld [smem:$0x3FAC]  }
0x29: {  	s4 =	sld [smem:$0x3FAE]  }
0x2a: {  	p0 =	seq.s32 s5, $0x0;
	s5 =	sld [smem:$0x3FAF]  }
0x2b: {  	s6 =	sld [smem:$0x3FB0]  }
0x2c: {  	s7 =	sld [smem:$0x3FB1]  }
0x2d: {  	s3 =	simm.s32 $0x108;
	s8 =	sld [smem:$0x3FB2]  }
0x2e: {  	s3 =	simm.s32 @!p0 $0x1082;
	s9 =	sld [smem:$0x3FB3]  }
0x2f: {  	lr =	sadd.s32 s0, s3;
	s0 =	sld [smem:$0x3FAA]  }
0x30: {  	s3 =	sld [smem:$0x3FAD]  }
0x31: {  	[smem:$0x3FB6] =	sst s10  }
0x32: {  	s10 =	sld [smem:$0x3FB4];
	_ =	sdelay $0x3  }
0x33: {  	p0 =	seq.s32 s10, $0x1;
	s10 =	sld [smem:$0x3FB6];
	_ =	sdelay $0x3  }
0x34: {  	[smem:$0x3FB6] =	sst s10  }
0x35: {  	s10 =	sld [smem:$0x3FB5];
	_ =	sdelay $0x3  }
0x36: {  	p1 =	seq.s32 s10, $0x1;
	s10 =	sld [smem:$0x3FB6];
	_ =	sdelay $0x3  }
0x37: {  	[smem:$0x3FB6] =	sst s10  }
0x38: {  	s10 =	sld [smem:$0x3FB7]  }
0x39: {  	_ = 	snop;
	(pc) =	sbr.ind lr, $3  }
0x3a: {  	_ = 	snop  }
0x3b: {  	_ = 	snop  }
0x3c: {  	p2 =	seq.s32 s10, $0x1;
	s10 =	sld [smem:$0x3FB6]  }
0x3d: {  	_ =	shalt  }
0x3e: {  	_ =	shalt  }
0x3f: {  	_ =	shalt  }
0x40: {  	_ =	shalt  }
0x41: {  	_ =	shalt  }
0x42: {  	_ =	shalt  }
0x43: {  	_ =	shalt  }
0x44: {  	_ =	shalt  }
0x45: {  	_ =	shalt  }
0x46: {  	_ =	shalt  }
0x47: {  	_ =	shalt  }
0x48: {  	_ =	shalt  }
0x49: {  	_ =	shalt  }
0x4a: {  	_ =	shalt  }
0x4b: {  	_ =	shalt  }
0x4c: {  	_ =	shalt  }
0x4d: {  	_ =	shalt  }
0x4e: {  	_ =	shalt  }
0x4f: {  	_ =	shalt  }
0x50: {  	_ =	shalt  }
0x51: {  	_ =	shalt  }
0x52: {  	_ =	shalt  }
0x53: {  	_ =	shalt  }
0x54: {  	_ =	shalt  }
0x55: {  	_ =	shalt  }
0x56: {  	_ =	shalt  }
0x57: {  	_ =	shalt  }
0x58: {  	_ =	shalt  }
0x59: {  	_ =	shalt  }
0x5a: {  	_ =	shalt  }
0x5b: {  	_ =	shalt  }
0x5c: {  	_ =	shalt  }
0x5d: {  	_ =	shalt  }
0x5e: {  	_ =	shalt  }
0x5f: {  	_ =	shalt  }
0x60: {  	_ =	shalt  }
0x61: {  	_ =	shalt  }
0x62: {  	_ =	shalt  }
0x63: {  	_ =	shalt  }
0x64: {  	_ =	shalt  }
0x65: {  	_ =	shalt  }
0x66: {  	_ =	shalt  }
0x67: {  	_ =	shalt  }
0x68: {  	_ =	shalt  }
0x69: {  	_ =	shalt  }
0x6a: {  	_ =	shalt  }
0x6b: {  	_ =	shalt  }
0x6c: {  	_ =	shalt  }
0x6d: {  	_ =	shalt  }
0x6e: {  	_ =	shalt  }
0x6f: {  	_ =	shalt  }
0x70: {  	_ =	shalt  }
0x71: {  	_ =	shalt  }
0x72: {  	_ =	shalt  }
0x73: {  	_ =	shalt  }
0x74: {  	_ =	shalt  }
0x75: {  	_ =	shalt  }
0x76: {  	_ =	shalt  }
0x77: {  	_ =	shalt  }
0x78: {  	_ =	shalt  }
0x79: {  	_ =	shalt  }
0x7a: {  	_ =	shalt  }
0x7b: {  	_ =	shalt  }
0x7c: {  	_ =	shalt  }
0x7d: {  	_ =	shalt  }
0x7e: {  	_ =	shalt  }
0x7f: {  	_ =	shalt  }
0x80: {  	_ =	shalt  }
0x81: {  	_ =	shalt  }
0x82: {  	_ =	shalt  }
0x83: {  	_ =	shalt  }
0x84: {  	_ =	shalt  }
0x85: {  	_ =	shalt  }
0x86: {  	_ =	shalt  }
0x87: {  	_ =	shalt  }
.Lfunc_end0:
.L_simem_size_0:
called_computation.1_lowered:
.L_overlay_start_0:
0x88: {  	s2 =	sld [smem:$0x3FD9]  }
0x89: {  	s3 =	sld [smem:$0x3FFE];
	_ =	sdelay $0x1  }
0x8a: {  	s1 =	srdreg.scid  }
0x8b: {  	s0 =	sand.u32 $0x1, s1  }
0x8c: {  	s17 =	sshll.u32 s0, $0xA;
	s2 =	sadd.s32 s3, s2  }
0x8d: {  	s2 =	sadd.s32 s2, s17  }
0x8e: {  	[smem:$0x3FC2] =	sst s2  }
0x8f: {  	_ = 	snop  }
0x90: {  	s2 =	sld [smem:$0x3FD0];
	(tm) =	ssettm $0x1  }
0x91: {  	s18 =	sld [smem:$0x3FFB];
	_ =	sdelay $0x3  }
0x92: {  	_ =	strace s18  }
0x93: {  	s3 =	sld [smem:$0x3FFC];
	_ =	sdelay $0x3  }
0x94: {  	_ =	strace s3  }
0x95: {  	s3 =	sld [smem:$0x3FFD];
	_ =	sdelay $0x3  }
0x96: {  	_ =	strace s3  }
0x97: {  	_ =	strace $0x8FFFFFFF  }
0x98: {  	s19 =	sld [smem:$0x3FDB];
	_ =	sdelay $0x1  }
0x99: {  	s4 =	simm.s32 $_scs_section_size  }
0x9a: {  	s5 =	simm.s32 $_size__tile_overlayer_lowered;
	s6 =	simm.s32 $_tile_overlayer_lowered  }
0x9b: {  	s22 =	simm.s32 $0x1BFF;
	s21 =	sshll.u32 s6, $0x1;
	s3 =	sadd.s32 s4, s19  }
0x9c: {  	s7 =	simm.s32 $0x0;
	s20 =	sshll.u32 s5, $0x1;
	s5 =	sadd.s32 s21, s3  }
0x9d: {  	[timem:s7], [sflag:s22] =	dma.local [hbm:s5], s20  }
0x9e: {  	_ =	swait.ge [sflag:s22], s20  }
0x9f: {  	s4 =	ssub.s32 $0x0, s20;
	[sflag:s22] =	ssyncset.done $0x0  }
0xa0: {  	[sflag:s22] =	ssyncadd.s32 s4;
	_ =	sdelay $0x1  }
0xa1: {  	s23 =	simm.s32 $0x1B8B  }
0xa2: {  	_ =	swait.ge [sflag:s23], $0x1  }
0xa3: {  	[sflag:s23] =	ssyncset.done $0x0  }
0xa4: {  	s25 =	simm.s32 $0x1B8E;
	s24 =	sld [smem:$0x3FFE];
	[sflag:s23] =	ssyncadd.s32 $0xFFFFFFFF  }
0xa5: {  	s26 =	simm.s32 $execute0_lowered;
	[smem:$0x3FD2] =	sst s25  }
0xa6: {  	s5 =	sshll.u32 s26, $0x1;
	_ =	strace $0x80000049;
	[dreg:$0x1] =	wrdreg $0xFFFFFFFF  }
0xa7: {  	s28 =	simm.s32 $_size_execute0_lowered;
	s3 =	sadd.s32 s3, s5;
	[dreg:$0x0] =	wrdreg $0x0  }
0xa8: {  	s5 =	sshll.u32 s28, $0x1;
	[dreg:$0x2] =	wrdreg s3  }
0xa9: {  	[dreg:$0x3] =	wrdreg s5  }
0xaa: {  	[dreg:$0x4] =	wrdreg $0xC0  }
0xab: {  	_ =	task [dreg:s7], $0x5FFFF  }
0xac: {  	[dreg:$0x1] =	wrdreg $0xFFFFFFFF  }
0xad: {  	[dreg:$0x0] =	wrdreg $0x60  }
0xae: {  	[dreg:$0x2] =	wrdreg s24  }
0xaf: {  	[dreg:$0x3] =	wrdreg s2  }
0xb0: {  	[dreg:$0x4] =	wrdreg $0xA9000  }
0xb1: {  	[dreg:$0x5] =	wrdreg $0x9  }
0xb2: {  	_ =	task.clear_ibuf [dreg:s7], $0x6FFFF;
	_ =	strace $0x90000049  }
0xb3: {  	s29 =	simm.s32 $0x9;
	_ =	strace $0x8000004B  }
0xb4: {  	_ =	swait.ge [sflag:s29], $0x1  }
0xb5: {  	[sflag:s29] =	ssyncadd.s32 $0xFFFFFFFF  }
0xb6: {  	_ =	strace $0x9000004B  }
0xb7: {  	_ =	sfence  }
0xb8: {  	s30 =	sld [smem:$0x0];
	_ =	sdelay $0x2  }
0xb9: {  	s31 =	sshll.u32 s1, $0xD;
	s1 =	sshrl.u32 s1, $0x2  }
0xba: {  	s3 =	sand.u32 $0x4000, s31;
	s1 =	sadd.s32 s1, s30  }
0xbb: {  	s0 =	sor.u32 s3, s0;
	s1 =	sshll.u32 s1, $0x11  }
0xbc: {  	s0 =	sor.u32 s1, s0  }
0xbd: {  	s0 =	sadd.s32 $0x8F2B, s0  }
0xbe: {  	[sflag:s0] =	ssyncadd.remote.s32 $0x1  }
0xbf: {  	_ =	sfence.sel $0xFFFF  }
0xc0: {  	[dreg:$0x0] =	wrdreg $0xFFFFFFFF;
	(pc) =	sbr.abs _section_cstart, $3  }
0xc1: {  	[dreg:$0x1] =	wrdreg $0xFFFFFFFF  }
0xc2: {  	_ =	task.clear_ibuf [dreg:s7], $0x2FFFF;
	_ =	strace $0x9FFFFFFF  }
0xc3: {  	(tm) =	ssettm $0x7FFFFFFF  }
tec
execute0_lowered:
.L_overlay_start_1:
0x0: {  	(tag) =	ssettag $0x1  }
0x1: {  	s0 =	rddreg [dreg:$0x0]  }
0x2: {  	s5 =	rddreg [dreg:$0x1]  }
0x3: {  	s2 =	srdreg.scid;
	s1 =	rddreg [dreg:$0x2]  }
0x4: {  	s3 =	simm.s32 $0x0;
	s24 =	stileid.u32;
	s17 =	simm.s32 $0x2900  }
0x5: {  	s18 =	simm.s32 $0x5;
	s19 =	simm.s32 $0x2800;
	s8 =	smul.u32 $0x14000, s24  }
0x6: {  	s20 =	simm.s32 $0x2880;
	s21 =	simm.s32 $0x1;
	s10 =	smul.u32 $0x50000, s24  }
0x7: {  	s22 =	simm.s32 $0x80;
	s6 =	sand.u32 $0x1, s2;
	s13 =	smul.u32 $0x2800, s24  }
0x8: {  	s23 =	simm.s32 $0x6900;
	s29 =	simm.s32 $0x0;
	s4 =	smul.u32 $0x27100, s6  }
0x9: {  	[smem:$0x7FF] =	sst s3;
	s16 =	sadd.s32 $0xD400, s0;
	s7 =	smul.u32 $0x140000, s6  }
0xa: {  	_ =	strace $0x8000004A;
	s26 =	sshll.u32 s6, $0x4;
	s28 =	ssub.s32 $0x2, s6  }
0xb: {  	s12 =	smul.u32 $0x28000, s6;
	s11 =	sshrl.u32 s28, $0x1;
	s30 =	sshrl.u32 s10, $0x2  }
0xc: {  	s9 =	sadd.s32 s4, s0;
	s25 =	sadd.s32 s8, s7;
	s7 =	sor.u32 s24, s26  }
0xd: {  	s11 =	ssub.s32 s28, s11;
	s31 =	sadd.s32 s13, s12;
	s24 =	simm.s32 $0x3  }
0xe: {  	s26 =	simm.s32 $0x4;
	s4 =	sshrl.u32 s25, $0x3;
	s7 =	smul.u32 $0x2800, s7  }
0xf: {  	s14 =	sor.u32 $0x80, s31;
	s25 =	simm.s32 $0x2;
	s0 =	sadd.s32 s4, s0  }
0x10: {  	s4 =	sadd.s32 s30, s1;
	s15 =	sshrl.u32 s14, $0x3;
	s7 =	sshrl.u32 s7, $0x3  }
0x11: {  	s8 =	sadd.s32 $0xB3800, s0;
	s12 =	sadd.s32 $0x8000, s4;
	s0 =	sor.u32 $0x100, s31  }
0x12: {  	s13 =	sadd.s32 $0xC000, s4;
	s14 =	sadd.s32 $0x10000, s4;
	s15 =	sadd.s32 s15, s16  }
0x13: {  	s5 =	sadd.s32 s5, s7;
	s6 =	sadd.s32 s16, s7;
	s7 =	sadd.s32 $0x65600, s9  }
0x14: {  	s9 =	smax.u32 s11, $0x1;
	s11 =	sadd.s32 $0x4000, s4;
	s0 =	sshrl.u32 s0, $0x3  }
0x15: {  	v0 =	vimm.f32 $0.0e+00;
	[dreg:$0x4] =	wrdreg s5;
	s10 =	sadd.s32 $0x4F0, s6;
	s16 =	sadd.s32 s0, s16  }
.LBB2_1:
0x16: {  	s0 =	sand.u32 $0xFE00, s3  }
0x17: {  	s31 =	sand.u32 $0x70, s3;
	s0 =	sshrl.u32 s0, $0x2  }
0x18: {  	s30 =	simm.s32 $0x40;
	s0 =	sor.u32 s31, s0;
	s31 =	simm.s32 $0x0  }
.LBB2_2:
0x19: {  	p0 =	sne.s32 s30, $0xFFC0  }
0x1a: {  	[tilespmem:s0+$0x2900] =	vst v0;
	s31 =	sadd.s32 $0x10, s31;
	s0 =	smov.u32 s30;
	s30 =	sadd.s32 $0x40, s30  }
.Ltmp0:
0x1b: {  	(pc) =	sbr.rel @p0 .LBB2_2-.Ltmp0, $4  }
0x1c: {  	_ = 	snop  }
0x1d: {  	s0 =	sand.u32 $0xFE00, s0  }
0x1e: {  	s2 =	sand.u32 $0x70, s31;
	s0 =	sshrl.u32 s0, $0x2  }
0x1f: {  	s0 =	sor.u32 s2, s0  }
0x20: {  	[tilespmem:s0+$0x2900] =	vst v0  }
0x21: {  	[spmem:s4] =	stream.linear.scatter [tilespmem:s17], [sflag:$0x5], $0x4000, $0x38;
	[tilespmem:$0x1E900] =	vst v63  }
0x22: {  	_ =	swait.ge [sflag:s18], $0x4000  }
0x23: {  	[sflag:s18] =	ssyncset.done $0x0  }
0x24: {  	[sflag:s18] =	ssyncadd.s32 $0xFFFFC000  }
0x25: {  	[spmem:s11] =	stream.linear.scatter [tilespmem:s17], [sflag:$0x5], $0x4000, $0x38;
	[tilespmem:$0x1E900] =	vst v63  }
0x26: {  	_ =	swait.ge [sflag:s18], $0x4000  }
0x27: {  	[sflag:s18] =	ssyncset.done $0x0  }
0x28: {  	[sflag:s18] =	ssyncadd.s32 $0xFFFFC000  }
0x29: {  	[spmem:s12] =	stream.linear.scatter [tilespmem:s17], [sflag:$0x5], $0x4000, $0x38;
	[tilespmem:$0x1E900] =	vst v63  }
0x2a: {  	_ =	swait.ge [sflag:s18], $0x4000  }
0x2b: {  	[sflag:s18] =	ssyncset.done $0x0  }
0x2c: {  	[sflag:s18] =	ssyncadd.s32 $0xFFFFC000  }
0x2d: {  	[spmem:s13] =	stream.linear.scatter [tilespmem:s17], [sflag:$0x5], $0x4000, $0x38;
	[tilespmem:$0x1E900] =	vst v63  }
0x2e: {  	_ =	swait.ge [sflag:s18], $0x4000  }
0x2f: {  	[sflag:s18] =	ssyncset.done $0x0  }
0x30: {  	[sflag:s18] =	ssyncadd.s32 $0xFFFFC000  }
0x31: {  	[spmem:s14] =	stream.linear.scatter [tilespmem:s17], [sflag:$0x5], $0x4000, $0x38;
	[tilespmem:$0x1E900] =	vst v63  }
0x32: {  	_ =	swait.ge [sflag:s18], $0x4000  }
0x33: {  	[sflag:s18] =	ssyncset.done $0x0  }
0x34: {  	s28 =	simm.s32 $0x0;
	s2 =	rddreg [dreg:$0x4];
	[sflag:s18] =	ssyncadd.s32 $0xFFFFC000  }
0x35: {  	[tilespmem:s28], [sflag:$0x5] =	stream.linear.gather [hbm4b:s2+s28], $0x2800, $0x38;
	[tilespmem:$0x1E900] =	vst v63  }
0x36: {  	_ =	swait.ge [sflag:s18], $0x2800  }
0x37: {  	[sflag:s18] =	ssyncset.done $0x0  }
0x38: {  	[sflag:s18] =	ssyncadd.s32 $0xFFFFD800  }
0x39: {  	[bflag:$0x0] =	sbarrier.arrive $0xFFFF  }
0x3a: {  	[tilespmem:s19], [sflag:$0x3] =	stream.linear.gather [hbm4b:s6+s28], $0x80, $0x38;
	[tilespmem:$0x1E900] =	vst v63  }
0x3b: {  	s5 =	simm.s32 $0x80  }
0x3c: {  	[tilespmem:s17], [sflag:$0x1] =	stream.indirect.gather [hbm4b:s7+s5], $0x80, s28, s5, $0xb8;
	[tilespmem:$0x1E900] =	vst v63  }
0x3d: {  	s28 =	sadd.s32 $0x0, s15  }
0x3e: {  	[tilespmem:s20], [sflag:$0x4] =	stream.linear.gather [hbm4b:s28+s3], $0x80, $0x38;
	[tilespmem:$0x1E900] =	vst v63  }
0x3f: {  	_ =	swait.ge [sflag:s21], $0x4000  }
0x40: {  	[sflag:s21] =	ssyncset.done $0x0  }
0x41: {  	[sflag:s21] =	ssyncadd.s32 $0xFFFFC000  }
0x42: {  	[tilespmem:s23], [sflag:$0x2] =	stream.indirect.gather [hbm4b:s7+s22], $0x80, s5, s22, $0xb8;
	[tilespmem:$0x1E900] =	vst v63  }
0x43: {  	_ =	swait.ge [sflag:s24], $0x80  }
0x44: {  	[sflag:s24] =	ssyncset.done $0x0  }
0x45: {  	[sflag:s24] =	ssyncadd.s32 $0xFFFFFF80  }
0x46: {  	[spmem:s1] =	stream.indirect.scatter.add.f32 [tilespmem:s17], [sflag:$0x5], $0x80, s19, s22, $0xb8;
	[tilespmem:$0x1E900] =	vst v63  }
0x47: {  	_ =	swait.ge [sflag:s18], $0x4000  }
0x48: {  	[sflag:s18] =	ssyncset.done $0x0  }
0x49: {  	s5 =	sadd.s32 $0x0, s16;
	[sflag:s18] =	ssyncadd.s32 $0xFFFFC000  }
0x4a: {  	[tilespmem:s19], [sflag:$0x3] =	stream.linear.gather [hbm4b:s5+s3], $0x80, $0x38;
	[tilespmem:$0x1E900] =	vst v63  }
0x4b: {  	_ =	swait.ge [sflag:s25], $0x4000  }
0x4c: {  	[sflag:s25] =	ssyncset.done $0x0  }
0x4d: {  	s28 =	simm.s32 $0x100;
	[sflag:s25] =	ssyncadd.s32 $0xFFFFC000  }
0x4e: {  	[tilespmem:s17], [sflag:$0x1] =	stream.indirect.gather [hbm4b:s7+s22], $0x80, s28, s22, $0xb8;
	[tilespmem:$0x1E900] =	vst v63  }
0x4f: {  	_ =	swait.ge [sflag:s26], $0x80  }
0x50: {  	[sflag:s26] =	ssyncset.done $0x0  }
0x51: {  	[sflag:s26] =	ssyncadd.s32 $0xFFFFFF80  }
0x52: {  	[spmem:s1] =	stream.indirect.scatter.add.f32 [tilespmem:s23], [sflag:$0x5], $0x80, s20, s22, $0xb8;
	[tilespmem:$0x1E900] =	vst v63  }
0x53: {  	s31 =	simm.s32 $0x20;
	_ =	swait.ge [sflag:s18], $0x4000  }
0x54: {  	s0 =	simm.s32 $0x40;
	s30 =	simm.s32 $0x180;
	[sflag:s18] =	ssyncset.done $0x0  }
.LBB2_4:
0x55: {  	s2 =	sadd.s32 s31, s15  }
0x56: {  	[sflag:s18] =	ssyncadd.s32 $0xFFFFC000;
	s28 =	smov.u32 s0;
	s5 =	sadd.s32 $0x20, s0  }
0x57: {  	[tilespmem:s20], [sflag:$0x4] =	stream.linear.gather [hbm4b:s2+s3], $0x80, $0x38;
	[tilespmem:$0x1E900] =	vst v63  }
0x58: {  	p0 =	sne.s32 s0, $0x4C0;
	_ =	swait.ge [sflag:s21], $0x4000  }
0x59: {  	[sflag:s21] =	ssyncset.done $0x0  }
0x5a: {  	[sflag:s21] =	ssyncadd.s32 $0xFFFFC000  }
0x5b: {  	[tilespmem:s23], [sflag:$0x2] =	stream.indirect.gather [hbm4b:s7+s22], $0x80, s30, s22, $0xb8;
	[tilespmem:$0x1E900] =	vst v63  }
0x5c: {  	_ =	swait.ge [sflag:s24], $0x80  }
0x5d: {  	[sflag:s24] =	ssyncset.done $0x0  }
0x5e: {  	[sflag:s24] =	ssyncadd.s32 $0xFFFFFF80  }
0x5f: {  	[spmem:s1] =	stream.indirect.scatter.add.f32 [tilespmem:s17], [sflag:$0x5], $0x80, s19, s22, $0xb8;
	[tilespmem:$0x1E900] =	vst v63  }
0x60: {  	_ =	swait.ge [sflag:s18], $0x4000  }
0x61: {  	[sflag:s18] =	ssyncset.done $0x0  }
0x62: {  	s0 =	sadd.s32 s31, s16;
	s31 =	smov.u32 s28;
	[sflag:s18] =	ssyncadd.s32 $0xFFFFC000  }
0x63: {  	[tilespmem:s19], [sflag:$0x3] =	stream.linear.gather [hbm4b:s0+s3], $0x80, $0x38;
	[tilespmem:$0x1E900] =	vst v63  }
0x64: {  	_ =	swait.ge [sflag:s25], $0x4000  }
0x65: {  	[sflag:s25] =	ssyncset.done $0x0  }
0x66: {  	s0 =	sadd.s32 $0x80, s30;
	[sflag:s25] =	ssyncadd.s32 $0xFFFFC000  }
0x67: {  	[tilespmem:s17], [sflag:$0x1] =	stream.indirect.gather [hbm4b:s7+s22], $0x80, s0, s22, $0xb8;
	[tilespmem:$0x1E900] =	vst v63  }
0x68: {  	_ =	swait.ge [sflag:s26], $0x80  }
.Ltmp1:
0x69: {  	[sflag:s26] =	ssyncset.done $0x0;
	(pc) =	sbr.rel @p0 .LBB2_4-.Ltmp1, $4  }
0x6a: {  	[sflag:s26] =	ssyncadd.s32 $0xFFFFFF80  }
0x6b: {  	[spmem:s1] =	stream.indirect.scatter.add.f32 [tilespmem:s23], [sflag:$0x5], $0x80, s20, s22, $0xb8;
	[tilespmem:$0x1E900] =	vst v63  }
0x6c: {  	_ =	swait.ge [sflag:s18], $0x4000  }
0x6d: {  	s30 =	sadd.s32 $0x100, s30;
	s0 =	smov.u32 s5;
	[sflag:s18] =	ssyncset.done $0x0  }
0x6e: {  	s0 =	sadd.s32 s31, s15;
	[sflag:s18] =	ssyncadd.s32 $0xFFFFC000  }
0x6f: {  	[tilespmem:s20], [sflag:$0x4] =	stream.linear.gather [hbm4b:s0+s3], $0x80, $0x38;
	[tilespmem:$0x1E900] =	vst v63  }
0x70: {  	_ =	swait.ge [sflag:s21], $0x4000  }
0x71: {  	[sflag:s21] =	ssyncset.done $0x0  }
0x72: {  	[sflag:s21] =	ssyncadd.s32 $0xFFFFC000  }
0x73: {  	[tilespmem:s23], [sflag:$0x2] =	stream.indirect.gather [hbm4b:s7+s22], $0x80, s30, s22, $0xb8;
	[tilespmem:$0x1E900] =	vst v63  }
0x74: {  	_ =	swait.ge [sflag:s24], $0x80  }
0x75: {  	[sflag:s24] =	ssyncset.done $0x0  }
0x76: {  	[sflag:s24] =	ssyncadd.s32 $0xFFFFFF80  }
0x77: {  	[spmem:s1] =	stream.indirect.scatter.add.f32 [tilespmem:s17], [sflag:$0x5], $0x80, s19, s22, $0xb8;
	[tilespmem:$0x1E900] =	vst v63  }
0x78: {  	_ =	swait.ge [sflag:s18], $0x4000  }
0x79: {  	[sflag:s18] =	ssyncset.done $0x0  }
0x7a: {  	s5 =	sadd.s32 s31, s16;
	[sflag:s18] =	ssyncadd.s32 $0xFFFFC000  }
0x7b: {  	[tilespmem:s19], [sflag:$0x3] =	stream.linear.gather [hbm4b:s5+s3], $0x80, $0x38;
	[tilespmem:$0x1E900] =	vst v63  }
0x7c: {  	_ =	swait.ge [sflag:s25], $0x4000  }
0x7d: {  	[sflag:s25] =	ssyncset.done $0x0  }
0x7e: {  	s28 =	sadd.s32 $0x80, s30;
	[sflag:s25] =	ssyncadd.s32 $0xFFFFC000  }
0x7f: {  	[tilespmem:s17], [sflag:$0x1] =	stream.indirect.gather [hbm4b:s7+s22], $0x80, s28, s22, $0xb8;
	[tilespmem:$0x1E900] =	vst v63  }
0x80: {  	_ =	swait.ge [sflag:s26], $0x80  }
0x81: {  	[sflag:s26] =	ssyncset.done $0x0  }
0x82: {  	[sflag:s26] =	ssyncadd.s32 $0xFFFFFF80  }
0x83: {  	[spmem:s1] =	stream.indirect.scatter.add.f32 [tilespmem:s23], [sflag:$0x5], $0x80, s20, s22, $0xb8;
	[tilespmem:$0x1E900] =	vst v63  }
0x84: {  	_ =	swait.ge [sflag:s18], $0x4000  }
0x85: {  	[sflag:s18] =	ssyncset.done $0x0  }
0x86: {  	[sflag:s18] =	ssyncadd.s32 $0xFFFFC000  }
0x87: {  	[tilespmem:s20], [sflag:$0x4] =	stream.linear.gather [hbm4b:s10+s3], $0x80, $0x38;
	[tilespmem:$0x1E900] =	vst v63  }
0x88: {  	_ =	swait.ge [sflag:s21], $0x4000  }
0x89: {  	[sflag:s21] =	ssyncset.done $0x0  }
0x8a: {  	s30 =	simm.s32 $0x2780;
	[sflag:s21] =	ssyncadd.s32 $0xFFFFC000  }
0x8b: {  	[tilespmem:s23], [sflag:$0x2] =	stream.indirect.gather [hbm4b:s7+s22], $0x80, s30, s22, $0xb8;
	[tilespmem:$0x1E900] =	vst v63  }
0x8c: {  	_ =	swait.ge [sflag:s24], $0x80  }
0x8d: {  	[sflag:s24] =	ssyncset.done $0x0  }
0x8e: {  	[sflag:s24] =	ssyncadd.s32 $0xFFFFFF80  }
0x8f: {  	[spmem:s1] =	stream.indirect.scatter.add.f32 [tilespmem:s17], [sflag:$0x5], $0x80, s19, s22, $0xb8;
	[tilespmem:$0x1E900] =	vst v63  }
0x90: {  	_ =	swait.ge [sflag:s18], $0x4000  }
0x91: {  	[sflag:s18] =	ssyncset.done $0x0  }
0x92: {  	[sflag:s18] =	ssyncadd.s32 $0xFFFFC000  }
0x93: {  	_ =	swait.ge [sflag:s25], $0x4000  }
0x94: {  	[sflag:s25] =	ssyncset.done $0x0  }
0x95: {  	[sflag:s25] =	ssyncadd.s32 $0xFFFFC000  }
0x96: {  	_ =	swait.ge [sflag:s26], $0x80  }
0x97: {  	[sflag:s26] =	ssyncset.done $0x0  }
0x98: {  	[sflag:s26] =	ssyncadd.s32 $0xFFFFFF80  }
0x99: {  	[spmem:s1] =	stream.indirect.scatter.add.f32 [tilespmem:s23], [sflag:$0x5], $0x80, s20, s22, $0xb8;
	[tilespmem:$0x1E900] =	vst v63  }
0x9a: {  	s31 =	stileid.u32;
	_ =	swait.ge [sflag:s18], $0x4000  }
0x9b: {  	s2 =	sshrl.u32 s4, $0x3;
	s29 =	sadd.s32 $0x1, s29;
	[sflag:s18] =	ssyncset.done $0x0  }
0x9c: {  	s0 =	sshll.u32 s31, $0x6;
	p0 =	sne.s32 s29, s9;
	[sflag:s18] =	ssyncadd.s32 $0xFFFFC000  }
.Ltmp2:
0x9d: {  	s0 =	sor.u32 $0x1C05, s0;
	[bflag:$0x0] =	sbarrier.arrive $0xFFFF;
	(pc) =	sbr.rel @p0 .LBB2_1-.Ltmp2, $4  }
0x9e: {  	[hbm:s8], [sflag:s0] =	dma.local [spmem:s2], $0x2800  }
0x9f: {  	_ =	swait.ge [sflag:s18], $0x2800  }
0xa0: {  	[sflag:s18] =	ssyncset.done $0x0  }
0xa1: {  	[sflag:s18] =	ssyncadd.s32 $0xFFFFD800  }
0xa2: {  	_ =	sfence.sel $0x180000  }
0xa3: {  	[bflag:$0x0] =	sbarrier.arrive $0xFFFF  }
0xa4: {  	_ =	strace $0x9000004A  }
0xa5: {  	s0 =	stileid.u32;
	[bflag:$0x2] =	sbarrier.arrive $0xFFFF  }
0xa6: {  	p0 =	sne.s32 s0, $0x0;
	s0 =	rddreg [dreg:$0x3]  }
0xa7: {  	s0 =	sadd.s32 @!p0 $0x100000, s0  }
0xa8: {  	[sflag:s0] =	ssyncadd.tile.s32 @!p0 $0x1;
	_ =	shalt  }
.Lfunc_end2:
_tile_overlayer_lowered:
.L_overlay_start_2:
0xa9: {  	(tag) =	ssettag $0x2  }
0xaa: {  	s0 =	rddreg [dreg:$0x0];
	s2 =	stileid.u32  }
0xab: {  	s1 =	rddreg [dreg:$0x1];
	p0 =	sne.s32 s2, $0x0  }
0xac: {  	s3 =	rddreg [dreg:$0x2];
	[bflag:$0x3] =	sbarrier.arrive $0xFFFF;
	s2 =	simm.s32 @!p0 $0x1C05  }
0xad: {  	[timem:s3], [sflag:s2] =	dma.local @!p0 [hbm:s0], s1  }
0xae: {  	s0 =	simm.s32 @!p0 $0x5  }
0xaf: {  	_ =	swait.ge @!p0 [sflag:s0], s1  }
0xb0: {  	s1 =	ssub.s32 @!p0 $0x0, s1;
	[sflag:s0] =	ssyncset.done @!p0 $0x0  }
0xb1: {  	[sflag:s0] =	ssyncadd.s32 @!p0 s1  }
0xb2: {  	[bflag:$0x3] =	sbarrier.arrive $0xFFFF  }
0xb3: {  	_ =	shalt  }

// kernel: kernel.14.cloned.1.call-start
scs
__scs_entry_jumppad:
0x0: {  	(pc) =	sbr.rel $0x88, $3  }
0x1: {  	(tag) =	ssettag $0x0;
	lr =	simm.s32 $0x1  }
0x2: {  	[smem:$0x3F9B] =	sst lr;
	_ =	strace $0xD0000000  }
0x3: {  	_ = 	snop  }
0x4: {  	_ = 	snop  }
0x5: {  	_ = 	snop  }
0x6: {  	_ = 	snop  }
0x7: {  	_ = 	snop  }
__scs_overlays_trampoline_lowered:
0x8: {  	[smem:$0x3FAA] =	sst s0  }
0x9: {  	[smem:$0x3FAB] =	sst s1  }
0xa: {  	[smem:$0x3FAC] =	sst s2  }
0xb: {  	[smem:$0x3FAD] =	sst s3  }
0xc: {  	[smem:$0x3FAE] =	sst s4  }
0xd: {  	[smem:$0x3FAF] =	sst s5  }
0xe: {  	[smem:$0x3FB0] =	sst s6  }
0xf: {  	[smem:$0x3FB1] =	sst s7  }
0x10: {  	[smem:$0x3FB2] =	sst s8  }
0x11: {  	[smem:$0x3FB3] =	sst s9;
	s0 =	simm.s32 @!p0 $0x0  }
0x12: {  	s1 =	sld [smem:$0x3F99];
	s0 =	simm.s32 @p0 $0x1  }
0x13: {  	[smem:$0x3FB4] =	sst s0;
	s0 =	simm.s32 @!p1 $0x0  }
0x14: {  	s2 =	sld [smem:$0x3F98];
	s0 =	simm.s32 @p1 $0x1  }
0x15: {  	[smem:$0x3FB5] =	sst s0;
	s0 =	simm.s32 @!p2 $0x0  }
0x16: {  	s3 =	sld [smem:$0x3FDB];
	s0 =	simm.s32 @p2 $0x1  }
0x17: {  	s4 =	simm.s32 $0x1BF5;
	[smem:$0x3FB7] =	sst s0  }
0x18: {  	s0 =	sld [smem:$0x3F9A];
	_ =	swait.ge [sflag:s4], $0x0  }
0x19: {  	s7 =	sld [smem:$0x3F9B]  }
0x1a: {  	s8 =	sadd.s32 $0xFFFFE003, lr  }
0x1b: {  	s9 =	sadd.s32 $0xFFFFFEF7, lr;
	s5 =	simm.s32 $0xFFFFFFFF;
	p2 =	slt.u32 s8, $0xFFFFF086  }
0x1c: {  	p1 =	slt.u32 s9, $0xF7A;
	s5 =	simm.s32 @!p2 $0x0  }
0x1d: {  	s5 =	simm.s32 @p1 $0x1;
	p0 =	seq.s32 s7, s2  }
0x1e: {  	s7 =	smul.u32 @!p0 $0xF7A, s2;
	p2 =	seq.s32 @!p0 s5, $0x0  }
0x1f: {  	s9 =	smul.u32 $0xF7A, s1;
	s8 =	simm.s32 @!p0 $0x1BF5;
	p2 =	por !p2, p0  }
0x20: {  	[sflag:s8] =	ssyncset.s32 @!p0 $0xFFFFF086;
	s6 =	sadd.s32 @!p0 s3, s7;
	s7 =	simm.s32 @!p0 $0x108  }
0x21: {  	s3 =	sadd.s32 s3, s9;
	s6 =	sadd.s32 @!p0 $0x88, s6;
	s7 =	simm.s32 @p2 $0x1082  }
0x22: {  	[simem:s7], [sflag:s8] =	dma.local @!p0 [hbm:s6], $0xF7A  }
0x23: {  	s9 =	sor.u32 $0xD0000000, s2;
	s6 =	simm.s32 $0x108;
	_ =	swait.ge @!p0 [sflag:s8], $0x0  }
0x24: {  	s3 =	sadd.s32 $0x88, s3;
	s6 =	simm.s32 @!p1 $0x1082;
	[sflag:s4] =	ssyncset.s32 $0xFFFFF086  }
0x25: {  	[simem:s6], [sflag:s4] =	dma.local [hbm:s3], $0xF7A  }
0x26: {  	[smem:$0x3F9B] =	sst s1;
	(tag) =	ssettag s2;
	_ =	strace s9  }
0x27: {  	s1 =	sld [smem:$0x3FAB]  }
0x28: {  	s2 =	sld [smem:$0x3FAC]  }
0x29: {  	s4 =	sld [smem:$0x3FAE]  }
0x2a: {  	p0 =	seq.s32 s5, $0x0;
	s5 =	sld [smem:$0x3FAF]  }
0x2b: {  	s6 =	sld [smem:$0x3FB0]  }
0x2c: {  	s7 =	sld [smem:$0x3FB1]  }
0x2d: {  	s3 =	simm.s32 $0x108;
	s8 =	sld [smem:$0x3FB2]  }
0x2e: {  	s3 =	simm.s32 @!p0 $0x1082;
	s9 =	sld [smem:$0x3FB3]  }
0x2f: {  	lr =	sadd.s32 s0, s3;
	s0 =	sld [smem:$0x3FAA]  }
0x30: {  	s3 =	sld [smem:$0x3FAD]  }
0x31: {  	[smem:$0x3FB6] =	sst s10  }
0x32: {  	s10 =	sld [smem:$0x3FB4];
	_ =	sdelay $0x3  }
0x33: {  	p0 =	seq.s32 s10, $0x1;
	s10 =	sld [smem:$0x3FB6];
	_ =	sdelay $0x3  }
0x34: {  	[smem:$0x3FB6] =	sst s10  }
0x35: {  	s10 =	sld [smem:$0x3FB5];
	_ =	sdelay $0x3  }
0x36: {  	p1 =	seq.s32 s10, $0x1;
	s10 =	sld [smem:$0x3FB6];
	_ =	sdelay $0x3  }
0x37: {  	[smem:$0x3FB6] =	sst s10  }
0x38: {  	s10 =	sld [smem:$0x3FB7]  }
0x39: {  	_ = 	snop;
	(pc) =	sbr.ind lr, $3  }
0x3a: {  	_ = 	snop  }
0x3b: {  	_ = 	snop  }
0x3c: {  	p2 =	seq.s32 s10, $0x1;
	s10 =	sld [smem:$0x3FB6]  }
0x3d: {  	_ =	shalt  }
0x3e: {  	_ =	shalt  }
0x3f: {  	_ =	shalt  }
0x40: {  	_ =	shalt  }
0x41: {  	_ =	shalt  }
0x42: {  	_ =	shalt  }
0x43: {  	_ =	shalt  }
0x44: {  	_ =	shalt  }
0x45: {  	_ =	shalt  }
0x46: {  	_ =	shalt  }
0x47: {  	_ =	shalt  }
0x48: {  	_ =	shalt  }
0x49: {  	_ =	shalt  }
0x4a: {  	_ =	shalt  }
0x4b: {  	_ =	shalt  }
0x4c: {  	_ =	shalt  }
0x4d: {  	_ =	shalt  }
0x4e: {  	_ =	shalt  }
0x4f: {  	_ =	shalt  }
0x50: {  	_ =	shalt  }
0x51: {  	_ =	shalt  }
0x52: {  	_ =	shalt  }
0x53: {  	_ =	shalt  }
0x54: {  	_ =	shalt  }
0x55: {  	_ =	shalt  }
0x56: {  	_ =	shalt  }
0x57: {  	_ =	shalt  }
0x58: {  	_ =	shalt  }
0x59: {  	_ =	shalt  }
0x5a: {  	_ =	shalt  }
0x5b: {  	_ =	shalt  }
0x5c: {  	_ =	shalt  }
0x5d: {  	_ =	shalt  }
0x5e: {  	_ =	shalt  }
0x5f: {  	_ =	shalt  }
0x60: {  	_ =	shalt  }
0x61: {  	_ =	shalt  }
0x62: {  	_ =	shalt  }
0x63: {  	_ =	shalt  }
0x64: {  	_ =	shalt  }
0x65: {  	_ =	shalt  }
0x66: {  	_ =	shalt  }
0x67: {  	_ =	shalt  }
0x68: {  	_ =	shalt  }
0x69: {  	_ =	shalt  }
0x6a: {  	_ =	shalt  }
0x6b: {  	_ =	shalt  }
0x6c: {  	_ =	shalt  }
0x6d: {  	_ =	shalt  }
0x6e: {  	_ =	shalt  }
0x6f: {  	_ =	shalt  }
0x70: {  	_ =	shalt  }
0x71: {  	_ =	shalt  }
0x72: {  	_ =	shalt  }
0x73: {  	_ =	shalt  }
0x74: {  	_ =	shalt  }
0x75: {  	_ =	shalt  }
0x76: {  	_ =	shalt  }
0x77: {  	_ =	shalt  }
0x78: {  	_ =	shalt  }
0x79: {  	_ =	shalt  }
0x7a: {  	_ =	shalt  }
0x7b: {  	_ =	shalt  }
0x7c: {  	_ =	shalt  }
0x7d: {  	_ =	shalt  }
0x7e: {  	_ =	shalt  }
0x7f: {  	_ =	shalt  }
0x80: {  	_ =	shalt  }
0x81: {  	_ =	shalt  }
0x82: {  	_ =	shalt  }
0x83: {  	_ =	shalt  }
0x84: {  	_ =	shalt  }
0x85: {  	_ =	shalt  }
0x86: {  	_ =	shalt  }
0x87: {  	_ =	shalt  }
.Lfunc_end0:
.L_simem_size_0:
called_computation.2_lowered:
.L_overlay_start_0:
0x88: {  	s2 =	sld [smem:$0x3FD9]  }
0x89: {  	s3 =	sld [smem:$0x3FFE];
	_ =	sdelay $0x1  }
0x8a: {  	s1 =	srdreg.scid  }
0x8b: {  	s0 =	sand.u32 $0x1, s1  }
0x8c: {  	s17 =	sshll.u32 s0, $0xA;
	s2 =	sadd.s32 s3, s2  }
0x8d: {  	s2 =	sadd.s32 s2, s17  }
0x8e: {  	[smem:$0x3FC2] =	sst s2  }
0x8f: {  	_ = 	snop  }
0x90: {  	s2 =	sld [smem:$0x3FD0];
	(tm) =	ssettm $0x1  }
0x91: {  	s18 =	sld [smem:$0x3FFB];
	_ =	sdelay $0x3  }
0x92: {  	_ =	strace s18  }
0x93: {  	s3 =	sld [smem:$0x3FFC];
	_ =	sdelay $0x3  }
0x94: {  	_ =	strace s3  }
0x95: {  	s3 =	sld [smem:$0x3FFD];
	_ =	sdelay $0x3  }
0x96: {  	_ =	strace s3  }
0x97: {  	_ =	strace $0x8FFFFFFF  }
0x98: {  	s19 =	sld [smem:$0x3FDB];
	_ =	sdelay $0x1  }
0x99: {  	s4 =	simm.s32 $_scs_section_size  }
0x9a: {  	s5 =	simm.s32 $_size__tile_overlayer_lowered;
	s6 =	simm.s32 $_tile_overlayer_lowered  }
0x9b: {  	s22 =	simm.s32 $0x1BFF;
	s21 =	sshll.u32 s6, $0x1;
	s3 =	sadd.s32 s4, s19  }
0x9c: {  	s7 =	simm.s32 $0x0;
	s20 =	sshll.u32 s5, $0x1;
	s5 =	sadd.s32 s21, s3  }
0x9d: {  	[timem:s7], [sflag:s22] =	dma.local [hbm:s5], s20  }
0x9e: {  	_ =	swait.ge [sflag:s22], s20  }
0x9f: {  	s4 =	ssub.s32 $0x0, s20;
	[sflag:s22] =	ssyncset.done $0x0  }
0xa0: {  	[sflag:s22] =	ssyncadd.s32 s4;
	_ =	sdelay $0x1  }
0xa1: {  	s23 =	simm.s32 $0x1B8B  }
0xa2: {  	_ =	swait.ge [sflag:s23], $0x1  }
0xa3: {  	[sflag:s23] =	ssyncset.done $0x0  }
0xa4: {  	s25 =	simm.s32 $0x1B8E;
	s24 =	sld [smem:$0x3FFE];
	[sflag:s23] =	ssyncadd.s32 $0xFFFFFFFF  }
0xa5: {  	s26 =	simm.s32 $execute0_lowered;
	[smem:$0x3FD2] =	sst s25  }
0xa6: {  	s5 =	sshll.u32 s26, $0x1;
	_ =	strace $0x8000004C;
	[dreg:$0x1] =	wrdreg $0xFFFFFFFF  }
0xa7: {  	s28 =	simm.s32 $_size_execute0_lowered;
	s3 =	sadd.s32 s3, s5;
	[dreg:$0x0] =	wrdreg $0x0  }
0xa8: {  	s5 =	sshll.u32 s28, $0x1;
	[dreg:$0x2] =	wrdreg s3  }
0xa9: {  	[dreg:$0x3] =	wrdreg s5  }
0xaa: {  	[dreg:$0x4] =	wrdreg $0xC0  }
0xab: {  	_ =	task [dreg:s7], $0x5FFFF  }
0xac: {  	[dreg:$0x1] =	wrdreg $0xFFFFFFFF  }
0xad: {  	[dreg:$0x0] =	wrdreg $0x60  }
0xae: {  	[dreg:$0x2] =	wrdreg s24  }
0xaf: {  	[dreg:$0x3] =	wrdreg s2  }
0xb0: {  	[dreg:$0x4] =	wrdreg $0xA9000  }
0xb1: {  	[dreg:$0x5] =	wrdreg $0x9  }
0xb2: {  	_ =	task.clear_ibuf [dreg:s7], $0x6FFFF;
	_ =	strace $0x9000004C  }
0xb3: {  	s29 =	simm.s32 $0x9;
	_ =	strace $0x8000004E  }
0xb4: {  	_ =	swait.ge [sflag:s29], $0x1  }
0xb5: {  	[sflag:s29] =	ssyncadd.s32 $0xFFFFFFFF  }
0xb6: {  	_ =	strace $0x9000004E  }
0xb7: {  	_ =	sfence  }
0xb8: {  	s30 =	sld [smem:$0x0];
	_ =	sdelay $0x2  }
0xb9: {  	s31 =	sshll.u32 s1, $0xD;
	s1 =	sshrl.u32 s1, $0x2  }
0xba: {  	s3 =	sand.u32 $0x4000, s31;
	s1 =	sadd.s32 s1, s30  }
0xbb: {  	s0 =	sor.u32 s3, s0;
	s1 =	sshll.u32 s1, $0x11  }
0xbc: {  	s0 =	sor.u32 s1, s0  }
0xbd: {  	s0 =	sadd.s32 $0x8F2B, s0  }
0xbe: {  	[sflag:s0] =	ssyncadd.remote.s32 $0x1  }
0xbf: {  	_ =	sfence.sel $0xFFFF  }
0xc0: {  	[dreg:$0x0] =	wrdreg $0xFFFFFFFF;
	(pc) =	sbr.abs _section_cstart, $3  }
0xc1: {  	[dreg:$0x1] =	wrdreg $0xFFFFFFFF  }
0xc2: {  	_ =	task.clear_ibuf [dreg:s7], $0x2FFFF;
	_ =	strace $0x9FFFFFFF  }
0xc3: {  	(tm) =	ssettm $0x7FFFFFFF  }
tec
execute0_lowered:
.L_overlay_start_1:
0x0: {  	(tag) =	ssettag $0x1  }
0x1: {  	s0 =	rddreg [dreg:$0x0]  }
0x2: {  	s5 =	rddreg [dreg:$0x1]  }
0x3: {  	s2 =	srdreg.scid;
	s1 =	rddreg [dreg:$0x2]  }
0x4: {  	s3 =	simm.s32 $0x0;
	s24 =	stileid.u32;
	s17 =	simm.s32 $0x2900  }
0x5: {  	s18 =	simm.s32 $0x5;
	s19 =	simm.s32 $0x2800;
	s8 =	smul.u32 $0x14000, s24  }
0x6: {  	s20 =	simm.s32 $0x2880;
	s21 =	simm.s32 $0x1;
	s10 =	smul.u32 $0x50000, s24  }
0x7: {  	s22 =	simm.s32 $0x80;
	s6 =	sand.u32 $0x1, s2;
	s13 =	smul.u32 $0x2800, s24  }
0x8: {  	s23 =	simm.s32 $0x6900;
	s29 =	simm.s32 $0x0;
	s4 =	smul.u32 $0x27100, s6  }
0x9: {  	[smem:$0x7FF] =	sst s3;
	s16 =	sadd.s32 $0xD400, s0;
	s7 =	smul.u32 $0x140000, s6  }
0xa: {  	_ =	strace $0x8000004D;
	s26 =	sshll.u32 s6, $0x4;
	s28 =	ssub.s32 $0x2, s6  }
0xb: {  	s12 =	smul.u32 $0x28000, s6;
	s11 =	sshrl.u32 s28, $0x1;
	s30 =	sshrl.u32 s10, $0x2  }
0xc: {  	s9 =	sadd.s32 s4, s0;
	s25 =	sadd.s32 s8, s7;
	s7 =	sor.u32 s24, s26  }
0xd: {  	s11 =	ssub.s32 s28, s11;
	s31 =	sadd.s32 s13, s12;
	s24 =	simm.s32 $0x3  }
0xe: {  	s26 =	simm.s32 $0x4;
	s4 =	sshrl.u32 s25, $0x3;
	s7 =	smul.u32 $0x2800, s7  }
0xf: {  	s14 =	sor.u32 $0x80, s31;
	s25 =	simm.s32 $0x2;
	s0 =	sadd.s32 s4, s0  }
0x10: {  	s4 =	sadd.s32 s30, s1;
	s15 =	sshrl.u32 s14, $0x3;
	s7 =	sshrl.u32 s7, $0x3  }
0x11: {  	s8 =	sadd.s32 $0xB3800, s0;
	s12 =	sadd.s32 $0x8000, s4;
	s0 =	sor.u32 $0x100, s31  }
0x12: {  	s13 =	sadd.s32 $0xC000, s4;
	s14 =	sadd.s32 $0x10000, s4;
	s15 =	sadd.s32 s15, s16  }
0x13: {  	s5 =	sadd.s32 s5, s7;
	s6 =	sadd.s32 s16, s7;
	s7 =	sadd.s32 $0x65600, s9  }
0x14: {  	s9 =	smax.u32 s11, $0x1;
	s11 =	sadd.s32 $0x4000, s4;
	s0 =	sshrl.u32 s0, $0x3  }
0x15: {  	v0 =	vimm.f32 $0.0e+00;
	[dreg:$0x4] =	wrdreg s5;
	s10 =	sadd.s32 $0x4F0, s6;
	s16 =	sadd.s32 s0, s16  }
.LBB2_1:
0x16: {  	s0 =	sand.u32 $0xFE00, s3  }
0x17: {  	s31 =	sand.u32 $0x70, s3;
	s0 =	sshrl.u32 s0, $0x2  }
0x18: {  	s30 =	simm.s32 $0x40;
	s0 =	sor.u32 s31, s0;
	s31 =	simm.s32 $0x0  }
.LBB2_2:
0x19: {  	p0 =	sne.s32 s30, $0xFFC0  }
0x1a: {  	[tilespmem:s0+$0x2900] =	vst v0;
	s31 =	sadd.s32 $0x10, s31;
	s0 =	smov.u32 s30;
	s30 =	sadd.s32 $0x40, s30  }
.Ltmp0:
0x1b: {  	(pc) =	sbr.rel @p0 .LBB2_2-.Ltmp0, $4  }
0x1c: {  	_ = 	snop  }
0x1d: {  	s0 =	sand.u32 $0xFE00, s0  }
0x1e: {  	s2 =	sand.u32 $0x70, s31;
	s0 =	sshrl.u32 s0, $0x2  }
0x1f: {  	s0 =	sor.u32 s2, s0  }
0x20: {  	[tilespmem:s0+$0x2900] =	vst v0  }
0x21: {  	[spmem:s4] =	stream.linear.scatter [tilespmem:s17], [sflag:$0x5], $0x4000, $0x38;
	[tilespmem:$0x1E900] =	vst v63  }
0x22: {  	_ =	swait.ge [sflag:s18], $0x4000  }
0x23: {  	[sflag:s18] =	ssyncset.done $0x0  }
0x24: {  	[sflag:s18] =	ssyncadd.s32 $0xFFFFC000  }
0x25: {  	[spmem:s11] =	stream.linear.scatter [tilespmem:s17], [sflag:$0x5], $0x4000, $0x38;
	[tilespmem:$0x1E900] =	vst v63  }
0x26: {  	_ =	swait.ge [sflag:s18], $0x4000  }
0x27: {  	[sflag:s18] =	ssyncset.done $0x0  }
0x28: {  	[sflag:s18] =	ssyncadd.s32 $0xFFFFC000  }
0x29: {  	[spmem:s12] =	stream.linear.scatter [tilespmem:s17], [sflag:$0x5], $0x4000, $0x38;
	[tilespmem:$0x1E900] =	vst v63  }
0x2a: {  	_ =	swait.ge [sflag:s18], $0x4000  }
0x2b: {  	[sflag:s18] =	ssyncset.done $0x0  }
0x2c: {  	[sflag:s18] =	ssyncadd.s32 $0xFFFFC000  }
0x2d: {  	[spmem:s13] =	stream.linear.scatter [tilespmem:s17], [sflag:$0x5], $0x4000, $0x38;
	[tilespmem:$0x1E900] =	vst v63  }
0x2e: {  	_ =	swait.ge [sflag:s18], $0x4000  }
0x2f: {  	[sflag:s18] =	ssyncset.done $0x0  }
0x30: {  	[sflag:s18] =	ssyncadd.s32 $0xFFFFC000  }
0x31: {  	[spmem:s14] =	stream.linear.scatter [tilespmem:s17], [sflag:$0x5], $0x4000, $0x38;
	[tilespmem:$0x1E900] =	vst v63  }
0x32: {  	_ =	swait.ge [sflag:s18], $0x4000  }
0x33: {  	[sflag:s18] =	ssyncset.done $0x0  }
0x34: {  	s28 =	simm.s32 $0x0;
	s2 =	rddreg [dreg:$0x4];
	[sflag:s18] =	ssyncadd.s32 $0xFFFFC000  }
0x35: {  	[tilespmem:s28], [sflag:$0x5] =	stream.linear.gather [hbm4b:s2+s28], $0x2800, $0x38;
	[tilespmem:$0x1E900] =	vst v63  }
0x36: {  	_ =	swait.ge [sflag:s18], $0x2800  }
0x37: {  	[sflag:s18] =	ssyncset.done $0x0  }
0x38: {  	[sflag:s18] =	ssyncadd.s32 $0xFFFFD800  }
0x39: {  	[bflag:$0x0] =	sbarrier.arrive $0xFFFF  }
0x3a: {  	[tilespmem:s19], [sflag:$0x3] =	stream.linear.gather [hbm4b:s6+s28], $0x80, $0x38;
	[tilespmem:$0x1E900] =	vst v63  }
0x3b: {  	s5 =	simm.s32 $0x80  }
0x3c: {  	[tilespmem:s17], [sflag:$0x1] =	stream.indirect.gather [hbm4b:s7+s5], $0x80, s28, s5, $0xb8;
	[tilespmem:$0x1E900] =	vst v63  }
0x3d: {  	s28 =	sadd.s32 $0x0, s15  }
0x3e: {  	[tilespmem:s20], [sflag:$0x4] =	stream.linear.gather [hbm4b:s28+s3], $0x80, $0x38;
	[tilespmem:$0x1E900] =	vst v63  }
0x3f: {  	_ =	swait.ge [sflag:s21], $0x4000  }
0x40: {  	[sflag:s21] =	ssyncset.done $0x0  }
0x41: {  	[sflag:s21] =	ssyncadd.s32 $0xFFFFC000  }
0x42: {  	[tilespmem:s23], [sflag:$0x2] =	stream.indirect.gather [hbm4b:s7+s22], $0x80, s5, s22, $0xb8;
	[tilespmem:$0x1E900] =	vst v63  }
0x43: {  	_ =	swait.ge [sflag:s24], $0x80  }
0x44: {  	[sflag:s24] =	ssyncset.done $0x0  }
0x45: {  	[sflag:s24] =	ssyncadd.s32 $0xFFFFFF80  }
0x46: {  	[spmem:s1] =	stream.indirect.scatter.add.f32 [tilespmem:s17], [sflag:$0x5], $0x80, s19, s22, $0xb8;
	[tilespmem:$0x1E900] =	vst v63  }
0x47: {  	_ =	swait.ge [sflag:s18], $0x4000  }
0x48: {  	[sflag:s18] =	ssyncset.done $0x0  }
0x49: {  	s5 =	sadd.s32 $0x0, s16;
	[sflag:s18] =	ssyncadd.s32 $0xFFFFC000  }
0x4a: {  	[tilespmem:s19], [sflag:$0x3] =	stream.linear.gather [hbm4b:s5+s3], $0x80, $0x38;
	[tilespmem:$0x1E900] =	vst v63  }
0x4b: {  	_ =	swait.ge [sflag:s25], $0x4000  }
0x4c: {  	[sflag:s25] =	ssyncset.done $0x0  }
0x4d: {  	s28 =	simm.s32 $0x100;
	[sflag:s25] =	ssyncadd.s32 $0xFFFFC000  }
0x4e: {  	[tilespmem:s17], [sflag:$0x1] =	stream.indirect.gather [hbm4b:s7+s22], $0x80, s28, s22, $0xb8;
	[tilespmem:$0x1E900] =	vst v63  }
0x4f: {  	_ =	swait.ge [sflag:s26], $0x80  }
0x50: {  	[sflag:s26] =	ssyncset.done $0x0  }
0x51: {  	[sflag:s26] =	ssyncadd.s32 $0xFFFFFF80  }
0x52: {  	[spmem:s1] =	stream.indirect.scatter.add.f32 [tilespmem:s23], [sflag:$0x5], $0x80, s20, s22, $0xb8;
	[tilespmem:$0x1E900] =	vst v63  }
0x53: {  	s31 =	simm.s32 $0x20;
	_ =	swait.ge [sflag:s18], $0x4000  }
0x54: {  	s0 =	simm.s32 $0x40;
	s30 =	simm.s32 $0x180;
	[sflag:s18] =	ssyncset.done $0x0  }
.LBB2_4:
0x55: {  	s2 =	sadd.s32 s31, s15  }
0x56: {  	[sflag:s18] =	ssyncadd.s32 $0xFFFFC000;
	s28 =	smov.u32 s0;
	s5 =	sadd.s32 $0x20, s0  }
0x57: {  	[tilespmem:s20], [sflag:$0x4] =	stream.linear.gather [hbm4b:s2+s3], $0x80, $0x38;
	[tilespmem:$0x1E900] =	vst v63  }
0x58: {  	p0 =	sne.s32 s0, $0x4C0;
	_ =	swait.ge [sflag:s21], $0x4000  }
0x59: {  	[sflag:s21] =	ssyncset.done $0x0  }
0x5a: {  	[sflag:s21] =	ssyncadd.s32 $0xFFFFC000  }
0x5b: {  	[tilespmem:s23], [sflag:$0x2] =	stream.indirect.gather [hbm4b:s7+s22], $0x80, s30, s22, $0xb8;
	[tilespmem:$0x1E900] =	vst v63  }
0x5c: {  	_ =	swait.ge [sflag:s24], $0x80  }
0x5d: {  	[sflag:s24] =	ssyncset.done $0x0  }
0x5e: {  	[sflag:s24] =	ssyncadd.s32 $0xFFFFFF80  }
0x5f: {  	[spmem:s1] =	stream.indirect.scatter.add.f32 [tilespmem:s17], [sflag:$0x5], $0x80, s19, s22, $0xb8;
	[tilespmem:$0x1E900] =	vst v63  }
0x60: {  	_ =	swait.ge [sflag:s18], $0x4000  }
0x61: {  	[sflag:s18] =	ssyncset.done $0x0  }
0x62: {  	s0 =	sadd.s32 s31, s16;
	s31 =	smov.u32 s28;
	[sflag:s18] =	ssyncadd.s32 $0xFFFFC000  }
0x63: {  	[tilespmem:s19], [sflag:$0x3] =	stream.linear.gather [hbm4b:s0+s3], $0x80, $0x38;
	[tilespmem:$0x1E900] =	vst v63  }
0x64: {  	_ =	swait.ge [sflag:s25], $0x4000  }
0x65: {  	[sflag:s25] =	ssyncset.done $0x0  }
0x66: {  	s0 =	sadd.s32 $0x80, s30;
	[sflag:s25] =	ssyncadd.s32 $0xFFFFC000  }
0x67: {  	[tilespmem:s17], [sflag:$0x1] =	stream.indirect.gather [hbm4b:s7+s22], $0x80, s0, s22, $0xb8;
	[tilespmem:$0x1E900] =	vst v63  }
0x68: {  	_ =	swait.ge [sflag:s26], $0x80  }
.Ltmp1:
0x69: {  	[sflag:s26] =	ssyncset.done $0x0;
	(pc) =	sbr.rel @p0 .LBB2_4-.Ltmp1, $4  }
0x6a: {  	[sflag:s26] =	ssyncadd.s32 $0xFFFFFF80  }
0x6b: {  	[spmem:s1] =	stream.indirect.scatter.add.f32 [tilespmem:s23], [sflag:$0x5], $0x80, s20, s22, $0xb8;
	[tilespmem:$0x1E900] =	vst v63  }
0x6c: {  	_ =	swait.ge [sflag:s18], $0x4000  }
0x6d: {  	s30 =	sadd.s32 $0x100, s30;
	s0 =	smov.u32 s5;
	[sflag:s18] =	ssyncset.done $0x0  }
0x6e: {  	s0 =	sadd.s32 s31, s15;
	[sflag:s18] =	ssyncadd.s32 $0xFFFFC000  }
0x6f: {  	[tilespmem:s20], [sflag:$0x4] =	stream.linear.gather [hbm4b:s0+s3], $0x80, $0x38;
	[tilespmem:$0x1E900] =	vst v63  }
0x70: {  	_ =	swait.ge [sflag:s21], $0x4000  }
0x71: {  	[sflag:s21] =	ssyncset.done $0x0  }
0x72: {  	[sflag:s21] =	ssyncadd.s32 $0xFFFFC000  }
0x73: {  	[tilespmem:s23], [sflag:$0x2] =	stream.indirect.gather [hbm4b:s7+s22], $0x80, s30, s22, $0xb8;
	[tilespmem:$0x1E900] =	vst v63  }
0x74: {  	_ =	swait.ge [sflag:s24], $0x80  }
0x75: {  	[sflag:s24] =	ssyncset.done $0x0  }
0x76: {  	[sflag:s24] =	ssyncadd.s32 $0xFFFFFF80  }
0x77: {  	[spmem:s1] =	stream.indirect.scatter.add.f32 [tilespmem:s17], [sflag:$0x5], $0x80, s19, s22, $0xb8;
	[tilespmem:$0x1E900] =	vst v63  }
0x78: {  	_ =	swait.ge [sflag:s18], $0x4000  }
0x79: {  	[sflag:s18] =	ssyncset.done $0x0  }
0x7a: {  	s5 =	sadd.s32 s31, s16;
	[sflag:s18] =	ssyncadd.s32 $0xFFFFC000  }
0x7b: {  	[tilespmem:s19], [sflag:$0x3] =	stream.linear.gather [hbm4b:s5+s3], $0x80, $0x38;
	[tilespmem:$0x1E900] =	vst v63  }
0x7c: {  	_ =	swait.ge [sflag:s25], $0x4000  }
0x7d: {  	[sflag:s25] =	ssyncset.done $0x0  }
0x7e: {  	s28 =	sadd.s32 $0x80, s30;
	[sflag:s25] =	ssyncadd.s32 $0xFFFFC000  }
0x7f: {  	[tilespmem:s17], [sflag:$0x1] =	stream.indirect.gather [hbm4b:s7+s22], $0x80, s28, s22, $0xb8;
	[tilespmem:$0x1E900] =	vst v63  }
0x80: {  	_ =	swait.ge [sflag:s26], $0x80  }
0x81: {  	[sflag:s26] =	ssyncset.done $0x0  }
0x82: {  	[sflag:s26] =	ssyncadd.s32 $0xFFFFFF80  }
0x83: {  	[spmem:s1] =	stream.indirect.scatter.add.f32 [tilespmem:s23], [sflag:$0x5], $0x80, s20, s22, $0xb8;
	[tilespmem:$0x1E900] =	vst v63  }
0x84: {  	_ =	swait.ge [sflag:s18], $0x4000  }
0x85: {  	[sflag:s18] =	ssyncset.done $0x0  }
0x86: {  	[sflag:s18] =	ssyncadd.s32 $0xFFFFC000  }
0x87: {  	[tilespmem:s20], [sflag:$0x4] =	stream.linear.gather [hbm4b:s10+s3], $0x80, $0x38;
	[tilespmem:$0x1E900] =	vst v63  }
0x88: {  	_ =	swait.ge [sflag:s21], $0x4000  }
0x89: {  	[sflag:s21] =	ssyncset.done $0x0  }
0x8a: {  	s30 =	simm.s32 $0x2780;
	[sflag:s21] =	ssyncadd.s32 $0xFFFFC000  }
0x8b: {  	[tilespmem:s23], [sflag:$0x2] =	stream.indirect.gather [hbm4b:s7+s22], $0x80, s30, s22, $0xb8;
	[tilespmem:$0x1E900] =	vst v63  }
0x8c: {  	_ =	swait.ge [sflag:s24], $0x80  }
0x8d: {  	[sflag:s24] =	ssyncset.done $0x0  }
0x8e: {  	[sflag:s24] =	ssyncadd.s32 $0xFFFFFF80  }
0x8f: {  	[spmem:s1] =	stream.indirect.scatter.add.f32 [tilespmem:s17], [sflag:$0x5], $0x80, s19, s22, $0xb8;
	[tilespmem:$0x1E900] =	vst v63  }
0x90: {  	_ =	swait.ge [sflag:s18], $0x4000  }
0x91: {  	[sflag:s18] =	ssyncset.done $0x0  }
0x92: {  	[sflag:s18] =	ssyncadd.s32 $0xFFFFC000  }
0x93: {  	_ =	swait.ge [sflag:s25], $0x4000  }
0x94: {  	[sflag:s25] =	ssyncset.done $0x0  }
0x95: {  	[sflag:s25] =	ssyncadd.s32 $0xFFFFC000  }
0x96: {  	_ =	swait.ge [sflag:s26], $0x80  }
0x97: {  	[sflag:s26] =	ssyncset.done $0x0  }
0x98: {  	[sflag:s26] =	ssyncadd.s32 $0xFFFFFF80  }
0x99: {  	[spmem:s1] =	stream.indirect.scatter.add.f32 [tilespmem:s23], [sflag:$0x5], $0x80, s20, s22, $0xb8;
	[tilespmem:$0x1E900] =	vst v63  }
0x9a: {  	s31 =	stileid.u32;
	_ =	swait.ge [sflag:s18], $0x4000  }
0x9b: {  	s2 =	sshrl.u32 s4, $0x3;
	s29 =	sadd.s32 $0x1, s29;
	[sflag:s18] =	ssyncset.done $0x0  }
0x9c: {  	s0 =	sshll.u32 s31, $0x6;
	p0 =	sne.s32 s29, s9;
	[sflag:s18] =	ssyncadd.s32 $0xFFFFC000  }
.Ltmp2:
0x9d: {  	s0 =	sor.u32 $0x1C05, s0;
	[bflag:$0x0] =	sbarrier.arrive $0xFFFF;
	(pc) =	sbr.rel @p0 .LBB2_1-.Ltmp2, $4  }
0x9e: {  	[hbm:s8], [sflag:s0] =	dma.local [spmem:s2], $0x2800  }
0x9f: {  	_ =	swait.ge [sflag:s18], $0x2800  }
0xa0: {  	[sflag:s18] =	ssyncset.done $0x0  }
0xa1: {  	[sflag:s18] =	ssyncadd.s32 $0xFFFFD800  }
0xa2: {  	_ =	sfence.sel $0x180000  }
0xa3: {  	[bflag:$0x0] =	sbarrier.arrive $0xFFFF  }
0xa4: {  	_ =	strace $0x9000004D  }
0xa5: {  	s0 =	stileid.u32;
	[bflag:$0x2] =	sbarrier.arrive $0xFFFF  }
0xa6: {  	p0 =	sne.s32 s0, $0x0;
	s0 =	rddreg [dreg:$0x3]  }
0xa7: {  	s0 =	sadd.s32 @!p0 $0x100000, s0  }
0xa8: {  	[sflag:s0] =	ssyncadd.tile.s32 @!p0 $0x1;
	_ =	shalt  }
.Lfunc_end2:
_tile_overlayer_lowered:
.L_overlay_start_2:
0xa9: {  	(tag) =	ssettag $0x2  }
0xaa: {  	s0 =	rddreg [dreg:$0x0];
	s2 =	stileid.u32  }
0xab: {  	s1 =	rddreg [dreg:$0x1];
	p0 =	sne.s32 s2, $0x0  }
0xac: {  	s3 =	rddreg [dreg:$0x2];
	[bflag:$0x3] =	sbarrier.arrive $0xFFFF;
	s2 =	simm.s32 @!p0 $0x1C05  }
0xad: {  	[timem:s3], [sflag:s2] =	dma.local @!p0 [hbm:s0], s1  }
0xae: {  	s0 =	simm.s32 @!p0 $0x5  }
0xaf: {  	_ =	swait.ge @!p0 [sflag:s0], s1  }
0xb0: {  	s1 =	ssub.s32 @!p0 $0x0, s1;
	[sflag:s0] =	ssyncset.done @!p0 $0x0  }
0xb1: {  	[sflag:s0] =	ssyncadd.s32 @!p0 s1  }
0xb2: {  	[bflag:$0x3] =	sbarrier.arrive $0xFFFF  }
0xb3: {  	_ =	shalt  }

// kernel: kernel.8.cloned.1.call-start
scs
__scs_entry_jumppad:
0x0: {  	(pc) =	sbr.rel $0x88, $3  }
0x1: {  	(tag) =	ssettag $0x0;
	lr =	simm.s32 $0x1  }
0x2: {  	[smem:$0x3F9B] =	sst lr;
	_ =	strace $0xD0000000  }
0x3: {  	_ = 	snop  }
0x4: {  	_ = 	snop  }
0x5: {  	_ = 	snop  }
0x6: {  	_ = 	snop  }
0x7: {  	_ = 	snop  }
__scs_overlays_trampoline_lowered:
0x8: {  	[smem:$0x3FAA] =	sst s0  }
0x9: {  	[smem:$0x3FAB] =	sst s1  }
0xa: {  	[smem:$0x3FAC] =	sst s2  }
0xb: {  	[smem:$0x3FAD] =	sst s3  }
0xc: {  	[smem:$0x3FAE] =	sst s4  }
0xd: {  	[smem:$0x3FAF] =	sst s5  }
0xe: {  	[smem:$0x3FB0] =	sst s6  }
0xf: {  	[smem:$0x3FB1] =	sst s7  }
0x10: {  	[smem:$0x3FB2] =	sst s8  }
0x11: {  	[smem:$0x3FB3] =	sst s9;
	s0 =	simm.s32 @!p0 $0x0  }
0x12: {  	s1 =	sld [smem:$0x3F99];
	s0 =	simm.s32 @p0 $0x1  }
0x13: {  	[smem:$0x3FB4] =	sst s0;
	s0 =	simm.s32 @!p1 $0x0  }
0x14: {  	s2 =	sld [smem:$0x3F98];
	s0 =	simm.s32 @p1 $0x1  }
0x15: {  	[smem:$0x3FB5] =	sst s0;
	s0 =	simm.s32 @!p2 $0x0  }
0x16: {  	s3 =	sld [smem:$0x3FDB];
	s0 =	simm.s32 @p2 $0x1  }
0x17: {  	s4 =	simm.s32 $0x1BF5;
	[smem:$0x3FB7] =	sst s0  }
0x18: {  	s0 =	sld [smem:$0x3F9A];
	_ =	swait.ge [sflag:s4], $0x0  }
0x19: {  	s7 =	sld [smem:$0x3F9B]  }
0x1a: {  	s8 =	sadd.s32 $0xFFFFE003, lr  }
0x1b: {  	s9 =	sadd.s32 $0xFFFFFEF7, lr;
	s5 =	simm.s32 $0xFFFFFFFF;
	p2 =	slt.u32 s8, $0xFFFFF086  }
0x1c: {  	p1 =	slt.u32 s9, $0xF7A;
	s5 =	simm.s32 @!p2 $0x0  }
0x1d: {  	s5 =	simm.s32 @p1 $0x1;
	p0 =	seq.s32 s7, s2  }
0x1e: {  	s7 =	smul.u32 @!p0 $0xF7A, s2;
	p2 =	seq.s32 @!p0 s5, $0x0  }
0x1f: {  	s9 =	smul.u32 $0xF7A, s1;
	s8 =	simm.s32 @!p0 $0x1BF5;
	p2 =	por !p2, p0  }
0x20: {  	[sflag:s8] =	ssyncset.s32 @!p0 $0xFFFFF086;
	s6 =	sadd.s32 @!p0 s3, s7;
	s7 =	simm.s32 @!p0 $0x108  }
0x21: {  	s3 =	sadd.s32 s3, s9;
	s6 =	sadd.s32 @!p0 $0x88, s6;
	s7 =	simm.s32 @p2 $0x1082  }
0x22: {  	[simem:s7], [sflag:s8] =	dma.local @!p0 [hbm:s6], $0xF7A  }
0x23: {  	s9 =	sor.u32 $0xD0000000, s2;
	s6 =	simm.s32 $0x108;
	_ =	swait.ge @!p0 [sflag:s8], $0x0  }
0x24: {  	s3 =	sadd.s32 $0x88, s3;
	s6 =	simm.s32 @!p1 $0x1082;
	[sflag:s4] =	ssyncset.s32 $0xFFFFF086  }
0x25: {  	[simem:s6], [sflag:s4] =	dma.local [hbm:s3], $0xF7A  }
0x26: {  	[smem:$0x3F9B] =	sst s1;
	(tag) =	ssettag s2;
	_ =	strace s9  }
0x27: {  	s1 =	sld [smem:$0x3FAB]  }
0x28: {  	s2 =	sld [smem:$0x3FAC]  }
0x29: {  	s4 =	sld [smem:$0x3FAE]  }
0x2a: {  	p0 =	seq.s32 s5, $0x0;
	s5 =	sld [smem:$0x3FAF]  }
0x2b: {  	s6 =	sld [smem:$0x3FB0]  }
0x2c: {  	s7 =	sld [smem:$0x3FB1]  }
0x2d: {  	s3 =	simm.s32 $0x108;
	s8 =	sld [smem:$0x3FB2]  }
0x2e: {  	s3 =	simm.s32 @!p0 $0x1082;
	s9 =	sld [smem:$0x3FB3]  }
0x2f: {  	lr =	sadd.s32 s0, s3;
	s0 =	sld [smem:$0x3FAA]  }
0x30: {  	s3 =	sld [smem:$0x3FAD]  }
0x31: {  	[smem:$0x3FB6] =	sst s10  }
0x32: {  	s10 =	sld [smem:$0x3FB4];
	_ =	sdelay $0x3  }
0x33: {  	p0 =	seq.s32 s10, $0x1;
	s10 =	sld [smem:$0x3FB6];
	_ =	sdelay $0x3  }
0x34: {  	[smem:$0x3FB6] =	sst s10  }
0x35: {  	s10 =	sld [smem:$0x3FB5];
	_ =	sdelay $0x3  }
0x36: {  	p1 =	seq.s32 s10, $0x1;
	s10 =	sld [smem:$0x3FB6];
	_ =	sdelay $0x3  }
0x37: {  	[smem:$0x3FB6] =	sst s10  }
0x38: {  	s10 =	sld [smem:$0x3FB7]  }
0x39: {  	_ = 	snop;
	(pc) =	sbr.ind lr, $3  }
0x3a: {  	_ = 	snop  }
0x3b: {  	_ = 	snop  }
0x3c: {  	p2 =	seq.s32 s10, $0x1;
	s10 =	sld [smem:$0x3FB6]  }
0x3d: {  	_ =	shalt  }
0x3e: {  	_ =	shalt  }
0x3f: {  	_ =	shalt  }
0x40: {  	_ =	shalt  }
0x41: {  	_ =	shalt  }
0x42: {  	_ =	shalt  }
0x43: {  	_ =	shalt  }
0x44: {  	_ =	shalt  }
0x45: {  	_ =	shalt  }
0x46: {  	_ =	shalt  }
0x47: {  	_ =	shalt  }
0x48: {  	_ =	shalt  }
0x49: {  	_ =	shalt  }
0x4a: {  	_ =	shalt  }
0x4b: {  	_ =	shalt  }
0x4c: {  	_ =	shalt  }
0x4d: {  	_ =	shalt  }
0x4e: {  	_ =	shalt  }
0x4f: {  	_ =	shalt  }
0x50: {  	_ =	shalt  }
0x51: {  	_ =	shalt  }
0x52: {  	_ =	shalt  }
0x53: {  	_ =	shalt  }
0x54: {  	_ =	shalt  }
0x55: {  	_ =	shalt  }
0x56: {  	_ =	shalt  }
0x57: {  	_ =	shalt  }
0x58: {  	_ =	shalt  }
0x59: {  	_ =	shalt  }
0x5a: {  	_ =	shalt  }
0x5b: {  	_ =	shalt  }
0x5c: {  	_ =	shalt  }
0x5d: {  	_ =	shalt  }
0x5e: {  	_ =	shalt  }
0x5f: {  	_ =	shalt  }
0x60: {  	_ =	shalt  }
0x61: {  	_ =	shalt  }
0x62: {  	_ =	shalt  }
0x63: {  	_ =	shalt  }
0x64: {  	_ =	shalt  }
0x65: {  	_ =	shalt  }
0x66: {  	_ =	shalt  }
0x67: {  	_ =	shalt  }
0x68: {  	_ =	shalt  }
0x69: {  	_ =	shalt  }
0x6a: {  	_ =	shalt  }
0x6b: {  	_ =	shalt  }
0x6c: {  	_ =	shalt  }
0x6d: {  	_ =	shalt  }
0x6e: {  	_ =	shalt  }
0x6f: {  	_ =	shalt  }
0x70: {  	_ =	shalt  }
0x71: {  	_ =	shalt  }
0x72: {  	_ =	shalt  }
0x73: {  	_ =	shalt  }
0x74: {  	_ =	shalt  }
0x75: {  	_ =	shalt  }
0x76: {  	_ =	shalt  }
0x77: {  	_ =	shalt  }
0x78: {  	_ =	shalt  }
0x79: {  	_ =	shalt  }
0x7a: {  	_ =	shalt  }
0x7b: {  	_ =	shalt  }
0x7c: {  	_ =	shalt  }
0x7d: {  	_ =	shalt  }
0x7e: {  	_ =	shalt  }
0x7f: {  	_ =	shalt  }
0x80: {  	_ =	shalt  }
0x81: {  	_ =	shalt  }
0x82: {  	_ =	shalt  }
0x83: {  	_ =	shalt  }
0x84: {  	_ =	shalt  }
0x85: {  	_ =	shalt  }
0x86: {  	_ =	shalt  }
0x87: {  	_ =	shalt  }
.Lfunc_end0:
.L_simem_size_0:
called_computation_lowered:
.L_overlay_start_0:
0x88: {  	s2 =	sld [smem:$0x3FD9]  }
0x89: {  	s3 =	sld [smem:$0x3FFE];
	_ =	sdelay $0x1  }
0x8a: {  	s1 =	srdreg.scid  }
0x8b: {  	s0 =	sand.u32 $0x1, s1  }
0x8c: {  	s16 =	sshll.u32 s0, $0xA;
	s2 =	sadd.s32 s3, s2  }
0x8d: {  	s2 =	sadd.s32 s2, s16  }
0x8e: {  	[smem:$0x3FC2] =	sst s2  }
0x8f: {  	_ = 	snop  }
0x90: {  	(tm) =	ssettm $0x1  }
0x91: {  	s17 =	sld [smem:$0x3FFB];
	_ =	sdelay $0x3  }
0x92: {  	_ =	strace s17  }
0x93: {  	s2 =	sld [smem:$0x3FFC];
	_ =	sdelay $0x3  }
0x94: {  	_ =	strace s2  }
0x95: {  	s2 =	sld [smem:$0x3FFD];
	_ =	sdelay $0x3  }
0x96: {  	_ =	strace s2  }
0x97: {  	_ =	strace $0x8FFFFFFF  }
0x98: {  	s18 =	sld [smem:$0x3FDB];
	_ =	sdelay $0x1  }
0x99: {  	s19 =	simm.s32 $_scs_section_size  }
0x9a: {  	s4 =	simm.s32 $_size__tile_overlayer_lowered;
	s5 =	simm.s32 $_tile_overlayer_lowered  }
0x9b: {  	s22 =	simm.s32 $0x1BFF;
	s21 =	sshll.u32 s5, $0x1;
	s2 =	sadd.s32 s19, s18  }
0x9c: {  	s6 =	simm.s32 $0x0;
	s20 =	sshll.u32 s4, $0x1;
	s4 =	sadd.s32 s21, s2  }
0x9d: {  	[timem:s6], [sflag:s22] =	dma.local [hbm:s4], s20  }
0x9e: {  	_ =	swait.ge [sflag:s22], s20  }
0x9f: {  	s3 =	ssub.s32 $0x0, s20;
	[sflag:s22] =	ssyncset.done $0x0  }
0xa0: {  	[sflag:s22] =	ssyncadd.s32 s3;
	_ =	sdelay $0x1  }
0xa1: {  	s23 =	simm.s32 $0x1B8B  }
0xa2: {  	_ =	swait.ge [sflag:s23], $0x1  }
0xa3: {  	[sflag:s23] =	ssyncset.done $0x0  }
0xa4: {  	s25 =	simm.s32 $0x1B8E;
	s24 =	sld [smem:$0x3FFE];
	[sflag:s23] =	ssyncadd.s32 $0xFFFFFFFF  }
0xa5: {  	s26 =	simm.s32 $execute0_lowered;
	[smem:$0x3FD2] =	sst s25  }
0xa6: {  	s4 =	sshll.u32 s26, $0x1;
	_ =	strace $0x80000046;
	[dreg:$0x1] =	wrdreg $0xFFFFFFFF  }
0xa7: {  	s28 =	simm.s32 $_size_execute0_lowered;
	s2 =	sadd.s32 s2, s4;
	[dreg:$0x0] =	wrdreg $0x0  }
0xa8: {  	s4 =	sshll.u32 s28, $0x1;
	[dreg:$0x2] =	wrdreg s2  }
0xa9: {  	[dreg:$0x3] =	wrdreg s4  }
0xaa: {  	[dreg:$0x4] =	wrdreg $0xC0  }
0xab: {  	_ =	task [dreg:s6], $0x5FFFF  }
0xac: {  	[dreg:$0x1] =	wrdreg $0xFFFFFFFF  }
0xad: {  	[dreg:$0x0] =	wrdreg $0x60  }
0xae: {  	[dreg:$0x2] =	wrdreg s24  }
0xaf: {  	[dreg:$0x3] =	wrdreg $0x54800  }
0xb0: {  	[dreg:$0x4] =	wrdreg $0x9  }
0xb1: {  	_ =	task.clear_ibuf [dreg:s6], $0x5FFFF;
	_ =	strace $0x90000046  }
0xb2: {  	s29 =	simm.s32 $0x9;
	_ =	strace $0x80000048  }
0xb3: {  	_ =	swait.ge [sflag:s29], $0x1  }
0xb4: {  	[sflag:s29] =	ssyncadd.s32 $0xFFFFFFFF  }
0xb5: {  	_ =	strace $0x90000048  }
0xb6: {  	_ =	sfence  }
0xb7: {  	s30 =	sld [smem:$0x0];
	_ =	sdelay $0x2  }
0xb8: {  	s31 =	sshll.u32 s1, $0xD;
	s1 =	sshrl.u32 s1, $0x2  }
0xb9: {  	s3 =	sand.u32 $0x4000, s31;
	s1 =	sadd.s32 s1, s30  }
0xba: {  	s0 =	sor.u32 s3, s0;
	s1 =	sshll.u32 s1, $0x11  }
0xbb: {  	s0 =	sor.u32 s1, s0  }
0xbc: {  	s0 =	sadd.s32 $0x8F2B, s0  }
0xbd: {  	[sflag:s0] =	ssyncadd.remote.s32 $0x1  }
0xbe: {  	_ =	sfence.sel $0xFFFF  }
0xbf: {  	[dreg:$0x0] =	wrdreg $0xFFFFFFFF;
	(pc) =	sbr.abs _section_cstart, $3  }
0xc0: {  	[dreg:$0x1] =	wrdreg $0xFFFFFFFF  }
0xc1: {  	_ =	task.clear_ibuf [dreg:s6], $0x2FFFF;
	_ =	strace $0x9FFFFFFF  }
0xc2: {  	(tm) =	ssettm $0x7FFFFFFF  }
0xc3: {  	_ =	shalt  }
tec
execute0_lowered:
.L_overlay_start_1:
0x0: {  	(tag) =	ssettag $0x1  }
0x1: {  	s0 =	srdreg.scid;
	s4 =	rddreg [dreg:$0x0]  }
0x2: {  	s5 =	rddreg [dreg:$0x1];
	s2 =	simm.s32 $0x0;
	s11 =	simm.s32 $0x400  }
0x3: {  	s12 =	simm.s32 $0x4F80;
	s13 =	simm.s32 $0x5200;
	s3 =	sand.u32 $0x1, s0  }
0x4: {  	s14 =	simm.s32 $0x0;
	s0 =	stileid.u32;
	s7 =	smul.u32 $0x2800, s3  }
0x5: {  	[smem:$0x7FF] =	sst s2;
	s1 =	sshll.u32 s3, $0x4;
	s8 =	smul.u32 $0x280, s0  }
0x6: {  	s26 =	sshrl.u32 s0, $0x3;
	s3 =	ssub.s32 $0x2, s3;
	s9 =	smul.u32 $0x5000, s0  }
0x7: {  	s29 =	sshll.u32 s0, $0x7;
	s1 =	sor.u32 s0, s1;
	s28 =	sshrl.u32 s3, $0x1  }
0x8: {  	s31 =	sand.u32 $0x380, s29;
	s6 =	smul.u32 $0x4E2, s1;
	s1 =	rddreg [dreg:$0x2]  }
0x9: {  	_ =	strace $0x80000047;
	s7 =	sadd.s32 s8, s7;
	s8 =	smul.u32 $0x50000, s26  }
0xa: {  	s10 =	ssub.s32 s3, s28;
	s9 =	sshrl.u32 s9, $0x2;
	s7 =	sshrl.u32 s7, $0x3  }
0xb: {  	s6 =	sadd.s32 s6, s4;
	s7 =	sadd.s32 s7, s4;
	s30 =	sshrl.u32 s8, $0x2  }
0xc: {  	s8 =	simm.s32 $0x1;
	s4 =	sadd.s32 s30, s5;
	s3 =	sadd.s32 $0x2C00, s6  }
0xd: {  	s5 =	sadd.s32 s9, s5;
	s6 =	sadd.s32 $0xCA00, s7;
	s7 =	smax.u32 s10, $0x1  }
0xe: {  	v0 =	vimm.f32 $0.0e+00;
	v1 =	vimm.f32 $1.000000000e+00;
	s9 =	simm.s32 $0x2780;
	s10 =	simm.s32 $0x80;
	s4 =	sadd.s32 s31, s4  }
.LBB2_1:
0xf: {  	s15 =	simm.s32 $0x40;
	s16 =	simm.s32 $0x0  }
.LBB2_2:
0x10: {  	p0 =	sne.s32 s15, $0x9FC0;
	[tilespmem:s16+$0x2780] =	vst v0;
	s16 =	smov.u32 s15;
	s15 =	sadd.s32 $0x40, s15  }
.Ltmp0:
0x11: {  	(pc) =	sbr.rel @p0 .LBB2_2-.Ltmp0, $2  }
0x12: {  	_ =	sdelay $0x2  }
0x13: {  	s16 =	sshra.s32 s16, $0x2  }
0x14: {  	[tilespmem:s16+$0x2780] =	vst v0;
	s15 =	simm.s32 $0x0  }
0x15: {  	[tilespmem:s15], [sflag:$0x1] =	stream.linear.gather [hbm4b:s3+s15], $0x2710, $0x38;
	[tilespmem:$0x7C80] =	vst v63  }
0x16: {  	_ =	swait.ge [sflag:s8], $0x2710  }
0x17: {  	[sflag:s8] =	ssyncset.done $0x0  }
0x18: {  	s16 =	simm.s32 $0x0;
	s15 =	simm.s32 $0x40;
	[sflag:s8] =	ssyncadd.s32 $0xFFFFD8F0  }
.LBB2_4:
0x19: {  	p0 =	sne.s32 s15, $0x9C00;
	v2 =	vld [tilespmem:s16+$0x0];
	_ =	sdelay $0x3  }
.Ltmp1:
0x1a: {  	(pc) =	sbr.rel @p0 .LBB2_4-.Ltmp1, $2  }
0x1b: {  	_ =	sdelay $0x2  }
0x1c: {  	s16 =	sshra.s32 s15, $0x2;
	s15 =	sadd.s32 $0x40, s15;
	[tilespmem:v2+s9+$0x0] =	vst.idx.add.f32.msk $0xffff, v1  }
0x1d: {  	v2 =	vld [tilespmem:s16+$0x0];
	_ =	sdelay $0x7  }
0x1e: {  	[tilespmem:v2+s9+$0x0] =	vst.idx.add.f32.msk $0xffff, v1  }
0x1f: {  	[spmem:s4] =	stream.strided.scatter [tilespmem:s9], [sflag:$0x1], $0x2800, s11, s10, $0x38;
	[tilespmem:$0x7C80] =	vst v63  }
0x20: {  	_ =	swait.ge [sflag:s8], $0x2800  }
0x21: {  	[sflag:s8] =	ssyncset.done $0x0  }
0x22: {  	[sflag:s8] =	ssyncadd.s32 $0xFFFFD800  }
0x23: {  	[bflag:$0x0] =	sbarrier.arrive $0xFFFF  }
0x24: {  	[tilespmem:$0x5200] =	vst v0  }
0x25: {  	[tilespmem:$0x5210] =	vst v0  }
0x26: {  	[tilespmem:$0x5220] =	vst v0  }
0x27: {  	[tilespmem:$0x5230] =	vst v0  }
0x28: {  	[tilespmem:$0x5240] =	vst v0  }
0x29: {  	[tilespmem:$0x5250] =	vst v0  }
0x2a: {  	[tilespmem:$0x5260] =	vst v0  }
0x2b: {  	[tilespmem:$0x5270] =	vst v0  }
0x2c: {  	[tilespmem:$0x5280] =	vst v0  }
0x2d: {  	[tilespmem:$0x5290] =	vst v0  }
0x2e: {  	[tilespmem:$0x52A0] =	vst v0  }
0x2f: {  	[tilespmem:$0x52B0] =	vst v0  }
0x30: {  	[tilespmem:$0x52C0] =	vst v0  }
0x31: {  	[tilespmem:$0x52D0] =	vst v0  }
0x32: {  	[tilespmem:$0x52E0] =	vst v0  }
0x33: {  	[tilespmem:$0x52F0] =	vst v0  }
0x34: {  	[tilespmem:$0x5300] =	vst v0  }
0x35: {  	[tilespmem:$0x5310] =	vst v0  }
0x36: {  	[tilespmem:$0x5320] =	vst v0  }
0x37: {  	[tilespmem:$0x5330] =	vst v0  }
0x38: {  	[tilespmem:$0x5340] =	vst v0  }
0x39: {  	[tilespmem:$0x5350] =	vst v0  }
0x3a: {  	[tilespmem:$0x5360] =	vst v0  }
0x3b: {  	[tilespmem:$0x5370] =	vst v0  }
0x3c: {  	[tilespmem:$0x5380] =	vst v0  }
0x3d: {  	[tilespmem:$0x5390] =	vst v0  }
0x3e: {  	[tilespmem:$0x53A0] =	vst v0  }
0x3f: {  	[tilespmem:$0x53B0] =	vst v0  }
0x40: {  	[tilespmem:$0x53C0] =	vst v0  }
0x41: {  	[tilespmem:$0x53D0] =	vst v0  }
0x42: {  	[tilespmem:$0x53E0] =	vst v0  }
0x43: {  	[tilespmem:$0x53F0] =	vst v0  }
0x44: {  	[tilespmem:$0x5400] =	vst v0  }
0x45: {  	[tilespmem:$0x5410] =	vst v0  }
0x46: {  	[tilespmem:$0x5420] =	vst v0  }
0x47: {  	[tilespmem:$0x5430] =	vst v0  }
0x48: {  	[tilespmem:$0x5440] =	vst v0  }
0x49: {  	[tilespmem:$0x5450] =	vst v0  }
0x4a: {  	[tilespmem:$0x5460] =	vst v0  }
0x4b: {  	s15 =	simm.s32 $0x0;
	[tilespmem:$0x5470] =	vst v0  }
.LBB2_6:
0x4c: {  	s16 =	sshrl.u32 s15, $0x3  }
0x4d: {  	s16 =	smul.u32 $0x50000, s16;
	_ =	sdelay $0x1  }
0x4e: {  	s17 =	sshll.u32 s15, $0x7;
	s16 =	sshra.s32 s16, $0x2  }
0x4f: {  	s17 =	sand.u32 $0x380, s17;
	s16 =	sadd.s32 s16, s5  }
0x50: {  	s16 =	sadd.s32 s17, s16  }
0x51: {  	[tilespmem:s12], [sflag:$0x1] =	stream.strided.gather [spmem:s16], $0x280, s11, s10, $0x38;
	[tilespmem:$0x7C80] =	vst v63  }
0x52: {  	_ =	swait.ge [sflag:s8], $0x280  }
0x53: {  	[sflag:s8] =	ssyncset.done $0x0  }
0x54: {  	s16 =	simm.s32 $0x0;
	[sflag:s8] =	ssyncadd.s32 $0xFFFFFD80  }
0x55: {  	s17 =	simm.s32 $0x40;
	v2 =	vld [tilespmem:s16+$0x4F80]  }
.LBB2_7:
0x56: {  	p0 =	sne.s32 s17, $0x9C0;
	v3 =	vld [tilespmem:s16+$0x5200];
	_ =	sdelay $0x2  }
.Ltmp2:
0x57: {  	(pc) =	sbr.rel @p0 .LBB2_7-.Ltmp2, $4  }
0x58: {  	_ = 	snop  }
0x59: {  	v3 =	vadd.f32 v2, v3  }
0x5a: {  	s18 =	sshra.s32 s17, $0x2  }
0x5b: {  	s17 =	sadd.s32 $0x40, s17;
	v2 =	vld [tilespmem:s18+$0x4F80];
	[tilespmem:s16+$0x5200] =	vst v3;
	s16 =	smov.u32 s18  }
0x5c: {  	v3 =	vld [tilespmem:s16+$0x5200]  }
0x5d: {  	s15 =	sadd.s32 $0x1, s15  }
0x5e: {  	p0 =	sne.s32 s15, $0x10  }
.Ltmp3:
0x5f: {  	_ = 	snop;
	(pc) =	sbr.rel @p0 .LBB2_6-.Ltmp3, $3  }
0x60: {  	_ = 	snop  }
0x61: {  	v2 =	vadd.f32 v2, v3;
	_ =	sdelay $0x1  }
0x62: {  	[tilespmem:s16+$0x5200] =	vst v2  }
0x63: {  	s14 =	sadd.s32 $0x1, s14  }
0x64: {  	p0 =	sne.s32 s14, s7  }
.Ltmp4:
0x65: {  	_ = 	snop;
	(pc) =	sbr.rel @p0 .LBB2_1-.Ltmp4, $4  }
0x66: {  	[hbm4b:s6+s2] =	stream.linear.scatter [tilespmem:s13], [sflag:$0x1], $0x280, $0x38;
	[tilespmem:$0x7C80] =	vst v63  }
0x67: {  	_ =	swait.ge [sflag:s8], $0x280  }
0x68: {  	[sflag:s8] =	ssyncset.done $0x0  }
0x69: {  	[sflag:s8] =	ssyncadd.s32 $0xFFFFFD80  }
0x6a: {  	_ =	sfence.sel $0x180000  }
0x6b: {  	[bflag:$0x0] =	sbarrier.arrive $0xFFFF  }
0x6c: {  	p0 =	sne.s32 s0, $0x0;
	_ =	strace $0x90000047  }
0x6d: {  	s0 =	sadd.s32 @!p0 $0x100000, s1;
	[bflag:$0x2] =	sbarrier.arrive $0xFFFF  }
0x6e: {  	[sflag:s0] =	ssyncadd.tile.s32 @!p0 $0x1;
	_ =	shalt  }
.Lfunc_end2:
_tile_overlayer_lowered:
.L_overlay_start_2:
0x6f: {  	(tag) =	ssettag $0x2  }
0x70: {  	s0 =	rddreg [dreg:$0x0];
	s2 =	stileid.u32  }
0x71: {  	s1 =	rddreg [dreg:$0x1];
	p0 =	sne.s32 s2, $0x0  }
0x72: {  	s3 =	rddreg [dreg:$0x2];
	[bflag:$0x3] =	sbarrier.arrive $0xFFFF;
	s2 =	simm.s32 @!p0 $0x1C01  }
0x73: {  	[timem:s3], [sflag:s2] =	dma.local @!p0 [hbm:s0], s1  }
0x74: {  	s0 =	simm.s32 @!p0 $0x1  }
0x75: {  	_ =	swait.ge @!p0 [sflag:s0], s1  }
0x76: {  	s1 =	ssub.s32 @!p0 $0x0, s1;
	[sflag:s0] =	ssyncset.done @!p0 $0x0  }
0x77: {  	[sflag:s0] =	ssyncadd.s32 @!p0 s1  }
0x78: {  	[bflag:$0x3] =	sbarrier.arrive $0xFFFF  }
0x79: {  	_ =	shalt  }

</sc_bundles>
